<compile_context>
chip_gen: v7x
topology: tpu7x:2x2x1
jax: 0.10.2.dev20260603
libtpu: 0.0.44.dev20260713+nightly
codegen_flags: <defaults>
</compile_context>

<pallas_src>
import functools

import jax
import jax.numpy as jnp
from jax import lax
from jax.experimental import pallas as pl
from jax.experimental.pallas import tpu as pltpu, tpu_sc as plsc

N = 10000
E = 160000
D = 256
DH = 128
H = 512
G = 64
A1 = 120
A2 = 3

NB = 1000
GRID = N // NB

TILES = 16
CHUNK = 80
CHUNKS = (E // TILES) // CHUNK
RPT = 624
RPT_LAST = N - (TILES - 1) * RPT


def _sc_agg_body(y0_hbm, y1_hbm, src_hbm, dst_hbm, zero_hbm, out0_hbm, out1_hbm,
                 src_v, dst_v, rows_v, agg_sh, sem):
    c = lax.axis_index("c")
    s = lax.axis_index("s")
    base = pl.multiple_of(s * RPT, 8)

    @pl.when(s < TILES - 1)
    def _():
        pltpu.sync_copy(zero_hbm.at[pl.ds(base, RPT)],
                        agg_sh.at[pl.ds(base, RPT)])

    @pl.when(s == TILES - 1)
    def _():
        pltpu.sync_copy(zero_hbm.at[pl.ds((TILES - 1) * RPT, RPT_LAST)],
                        agg_sh.at[pl.ds((TILES - 1) * RPT, RPT_LAST)])

    plsc.subcore_barrier()

    pltpu.sync_copy(src_hbm.at[s], src_v)
    pltpu.sync_copy(dst_hbm.at[s], dst_v)

    def run(table_hbm):
        def step(j, carry):
            pltpu.async_copy(table_hbm.at[src_v.at[j]], rows_v, sem).wait()
            pltpu.sync_copy(rows_v, agg_sh.at[dst_v.at[j]], add=True)
            return carry
        lax.fori_loop(0, CHUNKS, step, 0, unroll=False)

    @pl.when(c == 0)
    def _():
        run(y0_hbm)

    @pl.when(c == 1)
    def _():
        run(y1_hbm)

    plsc.subcore_barrier()

    def writeback(out_hbm):
        @pl.when(s < TILES - 1)
        def _():
            pltpu.sync_copy(agg_sh.at[pl.ds(base, RPT)],
                            out_hbm.at[pl.ds(base, RPT)])

        @pl.when(s == TILES - 1)
        def _():
            pltpu.sync_copy(agg_sh.at[pl.ds((TILES - 1) * RPT, RPT_LAST)],
                            out_hbm.at[pl.ds((TILES - 1) * RPT, RPT_LAST)])

    @pl.when(c == 0)
    def _():
        writeback(out0_hbm)

    @pl.when(c == 1)
    def _():
        writeback(out1_hbm)


@functools.cache
def _get_sc_agg():
    mesh = plsc.VectorSubcoreMesh(core_axis_name="c", subcore_axis_name="s")
    return pl.kernel(
        _sc_agg_body,
        mesh=mesh,
        out_type=(
            jax.ShapeDtypeStruct((N, DH), jnp.float32),
            jax.ShapeDtypeStruct((N, DH), jnp.float32),
        ),
        scratch_types=[
            pltpu.VMEM((CHUNKS, CHUNK), jnp.int32),
            pltpu.VMEM((CHUNKS, CHUNK), jnp.int32),
            pltpu.VMEM((CHUNK, DH), jnp.float32),
            pltpu.VMEM_SHARED((N, DH), jnp.float32),
            pltpu.SemaphoreType.DMA,
        ],
    )



def _embed_body(x_ref, e1_ref, e2_ref, y0_ref, y1_ref):
    xb = x_ref[...]
    i1 = xb[:, 0:1]
    i2 = xb[:, 1:2]
    oh1 = (i1 == lax.broadcasted_iota(jnp.int32, (NB, A1), 1)).astype(jnp.float32)
    oh2 = (i2 == lax.broadcasted_iota(jnp.int32, (NB, A2), 1)).astype(jnp.float32)
    y = oh1 @ e1_ref[...] + oh2 @ e2_ref[...]
    y0_ref[...] = y[:, :DH]
    y1_ref[...] = y[:, DH:]


_embed = pl.pallas_call(
    _embed_body,
    grid=(GRID,),
    in_specs=[
        pl.BlockSpec((NB, 2), lambda i: (i, 0)),
        pl.BlockSpec((A1, D), lambda i: (0, 0)),
        pl.BlockSpec((A2, D), lambda i: (0, 0)),
    ],
    out_specs=[
        pl.BlockSpec((NB, DH), lambda i: (i, 0)),
        pl.BlockSpec((NB, DH), lambda i: (i, 0)),
    ],
    out_shape=[
        jax.ShapeDtypeStruct((N, DH), jnp.float32),
        jax.ShapeDtypeStruct((N, DH), jnp.float32),
    ],
)



def _mlp_body(y0_ref, y1_ref, a0_ref, a1_ref, w1_ref, b1_ref, w2_ref, b2_ref,
              o0_ref, o1_ref):
    h = jnp.concatenate(
        [y0_ref[...] + a0_ref[...], y1_ref[...] + a1_ref[...]], axis=1)
    t = jnp.maximum(h @ w1_ref[...] + b1_ref[...], 0.0)
    o = jnp.maximum(t @ w2_ref[...] + b2_ref[...], 0.0)
    o0_ref[...] = o[:, :DH]
    o1_ref[...] = o[:, DH:]


_mlp = pl.pallas_call(
    _mlp_body,
    grid=(GRID,),
    in_specs=[
        pl.BlockSpec((NB, DH), lambda i: (i, 0)),
        pl.BlockSpec((NB, DH), lambda i: (i, 0)),
        pl.BlockSpec((NB, DH), lambda i: (i, 0)),
        pl.BlockSpec((NB, DH), lambda i: (i, 0)),
        pl.BlockSpec((D, H), lambda i: (0, 0)),
        pl.BlockSpec((1, H), lambda i: (0, 0)),
        pl.BlockSpec((H, D), lambda i: (0, 0)),
        pl.BlockSpec((1, D), lambda i: (0, 0)),
    ],
    out_specs=[
        pl.BlockSpec((NB, DH), lambda i: (i, 0)),
        pl.BlockSpec((NB, DH), lambda i: (i, 0)),
    ],
    out_shape=[
        jax.ShapeDtypeStruct((N, DH), jnp.float32),
        jax.ShapeDtypeStruct((N, DH), jnp.float32),
    ],
)



def _mlp_pool_body(y0_ref, y1_ref, a0_ref, a1_ref, w1_ref, b1_ref, w2_ref,
                   b2_ref, batch_ref, z_ref):
    h = jnp.concatenate(
        [y0_ref[...] + a0_ref[...], y1_ref[...] + a1_ref[...]], axis=1)
    t = jnp.maximum(h @ w1_ref[...] + b1_ref[...], 0.0)
    o = jnp.maximum(t @ w2_ref[...] + b2_ref[...], 0.0)
    b = batch_ref[...].reshape(1, NB)
    oh = (b == lax.broadcasted_iota(jnp.int32, (G, NB), 0)).astype(jnp.float32)
    zp = oh @ o

    @pl.when(pl.program_id(0) == 0)
    def _():
        z_ref[...] = jnp.zeros_like(z_ref)

    z_ref[...] += zp


_mlp_pool = pl.pallas_call(
    _mlp_pool_body,
    grid=(GRID,),
    in_specs=[
        pl.BlockSpec((NB, DH), lambda i: (i, 0)),
        pl.BlockSpec((NB, DH), lambda i: (i, 0)),
        pl.BlockSpec((NB, DH), lambda i: (i, 0)),
        pl.BlockSpec((NB, DH), lambda i: (i, 0)),
        pl.BlockSpec((D, H), lambda i: (0, 0)),
        pl.BlockSpec((1, H), lambda i: (0, 0)),
        pl.BlockSpec((H, D), lambda i: (0, 0)),
        pl.BlockSpec((1, D), lambda i: (0, 0)),
        pl.BlockSpec((1, 1, NB), lambda i: (i, 0, 0)),
    ],
    out_specs=pl.BlockSpec((G, D), lambda i: (0, 0)),
    out_shape=jax.ShapeDtypeStruct((G, D), jnp.float32),
    compiler_params=pltpu.CompilerParams(
        dimension_semantics=("arbitrary",)),
)


def kernel(x, edge_index, batch, emb1, emb2,
           w1_l0, b1_l0, w2_l0, b2_l0,
           w1_l1, b1_l1, w2_l1, b2_l1,
           w1_l2, b1_l2, w2_l2, b2_l2):
    src = edge_index[0].astype(jnp.int32).reshape(TILES, CHUNKS, CHUNK)
    dst = edge_index[1].astype(jnp.int32).reshape(TILES, CHUNKS, CHUNK)
    zero = jnp.zeros((N, DH), jnp.float32)
    batch3 = batch.astype(jnp.int32).reshape(GRID, 1, NB)

    y0, y1 = _embed(x.astype(jnp.int32), emb1, emb2)

    layers = [(w1_l0, b1_l0, w2_l0, b2_l0),
              (w1_l1, b1_l1, w2_l1, b2_l1),
              (w1_l2, b1_l2, w2_l2, b2_l2)]
    sc_agg = _get_sc_agg()
    for li, (w1, b1, w2, b2) in enumerate(layers):
        a0, a1 = sc_agg(y0, y1, src, dst, zero)
        b1r = b1.reshape(1, H)
        b2r = b2.reshape(1, D)
        if li < 2:
            y0, y1 = _mlp(y0, y1, a0, a1, w1, b1r, w2, b2r)
        else:
            z = _mlp_pool(y0, y1, a0, a1, w1, b1r, w2, b2r, batch3)
    return z

# --- scband reference (transcript-rebuilt; emitter-appended) ---
"""Pipeline reference for scband-generator-72069551227432 (READ-ONLY COPY).

The authoritative reference and input builder live on the scoring server;
editing this copy changes nothing except your own understanding.
"""

import jax, jax.numpy as jnp
import numpy as np

N = 10000
E = 160000
D = 256
H = 512
NUM_GRAPHS = 64
NUM_ATOM_TYPE = 120
NUM_CHIRALITY = 3


def setup_inputs(seed: int = 0) -> dict:
    key = jax.random.key(seed)
    ks = jax.random.split(key, 20)
    x = jax.random.randint(ks[0], (N, 2), 0, 3, dtype=jnp.int64 if jax.config.jax_enable_x64 else jnp.int32)
    edge_index = jax.random.randint(ks[1], (2, E), 0, N)
    batch = jnp.sort(jax.random.randint(ks[2], (N,), 0, NUM_GRAPHS))
    emb1 = jax.random.normal(ks[3], (NUM_ATOM_TYPE, D), dtype=jnp.float32) * 0.02
    emb2 = jax.random.normal(ks[4], (NUM_CHIRALITY, D), dtype=jnp.float32) * 0.02
    inp = {"x": x, "edge_index": edge_index, "batch": batch, "emb1": emb1, "emb2": emb2}
    for l in range(3):
        inp[f"w1_l{l}"] = jax.random.normal(ks[5 + 4 * l], (D, H), dtype=jnp.float32) * (1.0 / np.sqrt(D))
        inp[f"b1_l{l}"] = jnp.zeros((H,), dtype=jnp.float32)
        inp[f"w2_l{l}"] = jax.random.normal(ks[6 + 4 * l], (H, D), dtype=jnp.float32) * (1.0 / np.sqrt(H))
        inp[f"b2_l{l}"] = jnp.zeros((D,), dtype=jnp.float32)
    return inp


def reference(x, edge_index, batch, emb1, emb2,
              w1_l0, b1_l0, w2_l0, b2_l0,
              w1_l1, b1_l1, w2_l1, b2_l1,
              w1_l2, b1_l2, w2_l2, b2_l2):
    # Generator.explain: y = x_embedding1(x[:,0]) + x_embedding2(x[:,1]); z = encoder(y, edge_index, batch)
    # Encoder (Explainer) modeled as 3 GIN-style message-passing layers (eps=0):
    #   h = MLP(y + sum_{j in N(i)} y_j), MLP = Linear(D,H)-ReLU-Linear(H,D), followed by ReLU,
    # then global_add_pool over the graph batch vector.
    src = edge_index[0]
    dst = edge_index[1]
    y = jnp.take(emb1, x[:, 0], axis=0) + jnp.take(emb2, x[:, 1], axis=0)
    layers = [(w1_l0, b1_l0, w2_l0, b2_l0), (w1_l1, b1_l1, w2_l1, b2_l1), (w1_l2, b1_l2, w2_l2, b2_l2)]
    for (w1, b1, w2, b2) in layers:
        agg = jnp.zeros_like(y).at[dst].add(jnp.take(y, src, axis=0))
        h = y + agg
        h = jnp.maximum(h @ w1 + b1, 0.0) @ w2 + b2
        y = jnp.maximum(h, 0.0)
    z = jax.ops.segment_sum(y, batch, num_segments=NUM_GRAPHS)
    return z

if __name__ == "__main__":
    import jax
    _d = setup_inputs()
    print(jax.jit(kernel)(*tuple(_d.values())))

</pallas_src>

<mosaic_0001>
#map = affine_map<(d0, d1) -> (0, 0)>
#map1 = affine_map<(d0, d1) -> (0, 0, 0)>
module attributes {stable_mosaic.version = 14 : i64} {
  func.func @_sc_agg_body(%arg0: i32, %arg1: i32, %arg2: memref<10000x128xf32, #tpu.memory_space<hbm>>, %arg3: memref<10000x128xf32, #tpu.memory_space<hbm>>, %arg4: memref<16x125x80xi32, #tpu.memory_space<hbm>>, %arg5: memref<16x125x80xi32, #tpu.memory_space<hbm>>, %arg6: memref<10000x128xf32, #tpu.memory_space<hbm>>, %arg7: memref<10000x128xf32, #tpu.memory_space<hbm>>, %arg8: memref<10000x128xf32, #tpu.memory_space<hbm>>, %arg9: memref<125x80xi32, #tpu.memory_space<vmem>>, %arg10: memref<125x80xi32, #tpu.memory_space<vmem>>, %arg11: memref<80x128xf32, #tpu.memory_space<vmem>>, %arg12: memref<10000x128xf32, #tpu.memory_space<vmem_shared>>, %arg13: memref<!tpu.dma_semaphore, #tpu.memory_space<semaphore_mem>>) attributes {dimension_semantics = [#tpu.dimension_semantics<core_parallel>, #tpu.dimension_semantics<subcore_parallel>], iteration_bounds = array<i64: 2, 16>, scalar_prefetch = 0 : i64, scratch_operands = 5 : i64, tpu.core_type = #tpu.core_type<sc_vector_subcore>, window_params = [{transform_indices = #map}, {transform_indices = #map}, {transform_indices = #map1}, {transform_indices = #map1}, {transform_indices = #map}, {transform_indices = #map}, {transform_indices = #map}]} {
    %mul3A = arith.constant 624 : i32
    %mul3A_0 = arith.muli %arg1, %mul3A : i32
    %multiple_of3A = tpu.assume_multiple %mul3A_0, 8 : i32
    %lt3A = arith.constant 15 : i32
    %lt3A_1 = arith.cmpi slt, %arg1, %lt3A : i32
    %convert_element_type3A = arith.extui %lt3A_1 : i1 to i32
    %cond3A = arith.constant 0 : i32
    %cond3A_2 = arith.cmpi ne, %convert_element_type3A, %cond3A : i32
    scf.if %cond3A_2 {
      "tpu.region"() ({
        %run_scoped3A = tpu.sem_alloc : memref<!tpu.dma_semaphore, #tpu.memory_space<semaphore_mem>>
        %dma_start3A = arith.constant 0 : i32
        %dma_start3A_28 = tpu.memref_slice %arg12[%multiple_of3A, %dma_start3A] : memref<10000x128xf32, #tpu.memory_space<vmem_shared>> -> memref<624x128xf32, #tpu.memory_space<vmem_shared>>
        %dma_start3A_29 = arith.constant 0 : i32
        %dma_start3A_30 = tpu.memref_slice %arg6[%multiple_of3A, %dma_start3A_29] : memref<10000x128xf32, #tpu.memory_space<hbm>> -> memref<624x128xf32, #tpu.memory_space<hbm>>
        tpu.enqueue_dma source(%dma_start3A_30 : memref<624x128xf32, #tpu.memory_space<hbm>>) target(%dma_start3A_28 : memref<624x128xf32, #tpu.memory_space<vmem_shared>>) target_semaphore(%run_scoped3A : memref<!tpu.dma_semaphore, #tpu.memory_space<semaphore_mem>>)
        %dma_wait3A = arith.constant 0 : i32
        %dma_wait3A_31 = tpu.memref_slice %arg12[%multiple_of3A, %dma_wait3A] : memref<10000x128xf32, #tpu.memory_space<vmem_shared>> -> memref<624x128xf32, #tpu.memory_space<vmem_shared>>
        %dma_wait3A_32 = arith.constant 0 : i32
        %dma_wait3A_33 = tpu.memref_slice %arg6[%multiple_of3A, %dma_wait3A_32] : memref<10000x128xf32, #tpu.memory_space<hbm>> -> memref<624x128xf32, #tpu.memory_space<hbm>>
        tpu.wait_dma2 semaphore(%run_scoped3A : memref<!tpu.dma_semaphore, #tpu.memory_space<semaphore_mem>>) src(%dma_wait3A_33 : memref<624x128xf32, #tpu.memory_space<hbm>>) dst(%dma_wait3A_31 : memref<624x128xf32, #tpu.memory_space<vmem_shared>>)
        tpu.yield
      }) : () -> ()
    } else {
    }
    %eq3A = arith.constant 15 : i32
    %eq3A_3 = arith.cmpi eq, %arg1, %eq3A : i32
    %convert_element_type3A_4 = arith.extui %eq3A_3 : i1 to i32
    %cond3A_5 = arith.constant 0 : i32
    %cond3A_6 = arith.cmpi ne, %convert_element_type3A_4, %cond3A_5 : i32
    scf.if %cond3A_6 {
      "tpu.region"() ({
        %run_scoped3A = tpu.sem_alloc : memref<!tpu.dma_semaphore, #tpu.memory_space<semaphore_mem>>
        %dma_start3A = arith.constant 9360 : i32
        %dma_start3A_28 = arith.constant 0 : i32
        %dma_start3A_29 = tpu.memref_slice %arg12[%dma_start3A, %dma_start3A_28] : memref<10000x128xf32, #tpu.memory_space<vmem_shared>> -> memref<640x128xf32, #tpu.memory_space<vmem_shared>>
        %dma_start3A_30 = arith.constant 9360 : i32
        %dma_start3A_31 = arith.constant 0 : i32
        %dma_start3A_32 = tpu.memref_slice %arg6[%dma_start3A_30, %dma_start3A_31] : memref<10000x128xf32, #tpu.memory_space<hbm>> -> memref<640x128xf32, #tpu.memory_space<hbm>>
        tpu.enqueue_dma source(%dma_start3A_32 : memref<640x128xf32, #tpu.memory_space<hbm>>) target(%dma_start3A_29 : memref<640x128xf32, #tpu.memory_space<vmem_shared>>) target_semaphore(%run_scoped3A : memref<!tpu.dma_semaphore, #tpu.memory_space<semaphore_mem>>)
        %dma_wait3A = arith.constant 9360 : i32
        %dma_wait3A_33 = arith.constant 0 : i32
        %dma_wait3A_34 = tpu.memref_slice %arg12[%dma_wait3A, %dma_wait3A_33] : memref<10000x128xf32, #tpu.memory_space<vmem_shared>> -> memref<640x128xf32, #tpu.memory_space<vmem_shared>>
        %dma_wait3A_35 = arith.constant 9360 : i32
        %dma_wait3A_36 = arith.constant 0 : i32
        %dma_wait3A_37 = tpu.memref_slice %arg6[%dma_wait3A_35, %dma_wait3A_36] : memref<10000x128xf32, #tpu.memory_space<hbm>> -> memref<640x128xf32, #tpu.memory_space<hbm>>
        tpu.wait_dma2 semaphore(%run_scoped3A : memref<!tpu.dma_semaphore, #tpu.memory_space<semaphore_mem>>) src(%dma_wait3A_37 : memref<640x128xf32, #tpu.memory_space<hbm>>) dst(%dma_wait3A_34 : memref<640x128xf32, #tpu.memory_space<vmem_shared>>)
        tpu.yield
      }) : () -> ()
    } else {
    }
    %barrier3A = arith.constant 0 : index
    tpu.barrier barrier_id(%barrier3A)
    "tpu.region"() ({
      %run_scoped3A = tpu.sem_alloc : memref<!tpu.dma_semaphore, #tpu.memory_space<semaphore_mem>>
      %dma_start3A = arith.constant 0 : i32
      %dma_start3A_28 = arith.constant 0 : i32
      %dma_start3A_29 = tpu.memref_slice %arg4[%arg1, %dma_start3A, %dma_start3A_28] : memref<16x125x80xi32, #tpu.memory_space<hbm>> -> memref<1x125x80xi32, #tpu.memory_space<hbm>>
      %dma_start3A_30 = tpu.memref_squeeze %dma_start3A_29 : memref<1x125x80xi32, #tpu.memory_space<hbm>> -> memref<125x80xi32, #tpu.memory_space<hbm>>
      %dma_start3A_31 = arith.constant 0 : i32
      %dma_start3A_32 = arith.constant 0 : i32
      %dma_start3A_33 = tpu.memref_slice %arg4[%arg1, %dma_start3A_31, %dma_start3A_32] : memref<16x125x80xi32, #tpu.memory_space<hbm>> -> memref<1x125x80xi32, #tpu.memory_space<hbm>>
      %dma_start3A_34 = tpu.memref_squeeze %dma_start3A_33 : memref<1x125x80xi32, #tpu.memory_space<hbm>> -> memref<125x80xi32, #tpu.memory_space<hbm>>
      tpu.enqueue_dma source(%dma_start3A_34 : memref<125x80xi32, #tpu.memory_space<hbm>>) target(%arg9 : memref<125x80xi32, #tpu.memory_space<vmem>>) target_semaphore(%run_scoped3A : memref<!tpu.dma_semaphore, #tpu.memory_space<semaphore_mem>>)
      %dma_wait3A = arith.constant 0 : i32
      %dma_wait3A_35 = arith.constant 0 : i32
      %dma_wait3A_36 = tpu.memref_slice %arg4[%arg1, %dma_wait3A, %dma_wait3A_35] : memref<16x125x80xi32, #tpu.memory_space<hbm>> -> memref<1x125x80xi32, #tpu.memory_space<hbm>>
      %dma_wait3A_37 = tpu.memref_squeeze %dma_wait3A_36 : memref<1x125x80xi32, #tpu.memory_space<hbm>> -> memref<125x80xi32, #tpu.memory_space<hbm>>
      %dma_wait3A_38 = arith.constant 0 : i32
      %dma_wait3A_39 = arith.constant 0 : i32
      %dma_wait3A_40 = tpu.memref_slice %arg4[%arg1, %dma_wait3A_38, %dma_wait3A_39] : memref<16x125x80xi32, #tpu.memory_space<hbm>> -> memref<1x125x80xi32, #tpu.memory_space<hbm>>
      %dma_wait3A_41 = tpu.memref_squeeze %dma_wait3A_40 : memref<1x125x80xi32, #tpu.memory_space<hbm>> -> memref<125x80xi32, #tpu.memory_space<hbm>>
      tpu.wait_dma2 semaphore(%run_scoped3A : memref<!tpu.dma_semaphore, #tpu.memory_space<semaphore_mem>>) src(%dma_wait3A_41 : memref<125x80xi32, #tpu.memory_space<hbm>>) dst(%arg9 : memref<125x80xi32, #tpu.memory_space<vmem>>)
      tpu.yield
    }) : () -> ()
    "tpu.region"() ({
      %run_scoped3A = tpu.sem_alloc : memref<!tpu.dma_semaphore, #tpu.memory_space<semaphore_mem>>
      %dma_start3A = arith.constant 0 : i32
      %dma_start3A_28 = arith.constant 0 : i32
      %dma_start3A_29 = tpu.memref_slice %arg5[%arg1, %dma_start3A, %dma_start3A_28] : memref<16x125x80xi32, #tpu.memory_space<hbm>> -> memref<1x125x80xi32, #tpu.memory_space<hbm>>
      %dma_start3A_30 = tpu.memref_squeeze %dma_start3A_29 : memref<1x125x80xi32, #tpu.memory_space<hbm>> -> memref<125x80xi32, #tpu.memory_space<hbm>>
      %dma_start3A_31 = arith.constant 0 : i32
      %dma_start3A_32 = arith.constant 0 : i32
      %dma_start3A_33 = tpu.memref_slice %arg5[%arg1, %dma_start3A_31, %dma_start3A_32] : memref<16x125x80xi32, #tpu.memory_space<hbm>> -> memref<1x125x80xi32, #tpu.memory_space<hbm>>
      %dma_start3A_34 = tpu.memref_squeeze %dma_start3A_33 : memref<1x125x80xi32, #tpu.memory_space<hbm>> -> memref<125x80xi32, #tpu.memory_space<hbm>>
      tpu.enqueue_dma source(%dma_start3A_34 : memref<125x80xi32, #tpu.memory_space<hbm>>) target(%arg10 : memref<125x80xi32, #tpu.memory_space<vmem>>) target_semaphore(%run_scoped3A : memref<!tpu.dma_semaphore, #tpu.memory_space<semaphore_mem>>)
      %dma_wait3A = arith.constant 0 : i32
      %dma_wait3A_35 = arith.constant 0 : i32
      %dma_wait3A_36 = tpu.memref_slice %arg5[%arg1, %dma_wait3A, %dma_wait3A_35] : memref<16x125x80xi32, #tpu.memory_space<hbm>> -> memref<1x125x80xi32, #tpu.memory_space<hbm>>
      %dma_wait3A_37 = tpu.memref_squeeze %dma_wait3A_36 : memref<1x125x80xi32, #tpu.memory_space<hbm>> -> memref<125x80xi32, #tpu.memory_space<hbm>>
      %dma_wait3A_38 = arith.constant 0 : i32
      %dma_wait3A_39 = arith.constant 0 : i32
      %dma_wait3A_40 = tpu.memref_slice %arg5[%arg1, %dma_wait3A_38, %dma_wait3A_39] : memref<16x125x80xi32, #tpu.memory_space<hbm>> -> memref<1x125x80xi32, #tpu.memory_space<hbm>>
      %dma_wait3A_41 = tpu.memref_squeeze %dma_wait3A_40 : memref<1x125x80xi32, #tpu.memory_space<hbm>> -> memref<125x80xi32, #tpu.memory_space<hbm>>
      tpu.wait_dma2 semaphore(%run_scoped3A : memref<!tpu.dma_semaphore, #tpu.memory_space<semaphore_mem>>) src(%dma_wait3A_41 : memref<125x80xi32, #tpu.memory_space<hbm>>) dst(%arg10 : memref<125x80xi32, #tpu.memory_space<vmem>>)
      tpu.yield
    }) : () -> ()
    %eq3A_7 = arith.constant 0 : i32
    %eq3A_8 = arith.cmpi eq, %arg0, %eq3A_7 : i32
    %convert_element_type3A_9 = arith.extui %eq3A_8 : i1 to i32
    %cond3A_10 = arith.constant 0 : i32
    %cond3A_11 = arith.cmpi ne, %convert_element_type3A_9, %cond3A_10 : i32
    scf.if %cond3A_11 {
      %scan3A = arith.constant 0 : i32
      %scan3A_28 = arith.constant 0 : i32
      %scan3A_29 = arith.constant 125 : i32
      %scan3A_30 = arith.addi %scan3A_28, %scan3A_29 : i32
      %scan3A_31 = arith.constant 1 : i32
      scf.for %scan3A_33 = %scan3A_28 to %scan3A_30 step %scan3A_31  : i32 {
        %dma_start3A = arith.constant 0 : i32
        %dma_start3A_34 = tpu.memref_slice %arg9[%scan3A_33, %dma_start3A] : memref<125x80xi32, #tpu.memory_space<vmem>> -> memref<1x80xi32, #tpu.memory_space<vmem>>
        %dma_start3A_35 = tpu.memref_squeeze %dma_start3A_34 : memref<1x80xi32, #tpu.memory_space<vmem>> -> memref<80xi32, #tpu.memory_space<vmem>>
        %dma_start3A_36 = arith.constant 0 : i32
        %dma_start3A_37 = arith.constant 0 : i32
        %dma_start3A_38 = tpu.memref_slice %arg2[%dma_start3A_36, %dma_start3A_37] : memref<10000x128xf32, #tpu.memory_space<hbm>> -> memref<10000x128xf32, #tpu.memory_space<hbm>>
        tpu.enqueue_indirect_dma source(%dma_start3A_38 : memref<10000x128xf32, #tpu.memory_space<hbm>>) target(%arg11 : memref<80x128xf32, #tpu.memory_space<vmem>>) offsets(%dma_start3A_35 : memref<80xi32, #tpu.memory_space<vmem>>) semaphore(%arg13 : memref<!tpu.dma_semaphore, #tpu.memory_space<semaphore_mem>>)
        %dma_wait3A = arith.constant 0 : i32
        %dma_wait3A_39 = tpu.memref_slice %arg9[%scan3A_33, %dma_wait3A] : memref<125x80xi32, #tpu.memory_space<vmem>> -> memref<1x80xi32, #tpu.memory_space<vmem>>
        %dma_wait3A_40 = tpu.memref_squeeze %dma_wait3A_39 : memref<1x80xi32, #tpu.memory_space<vmem>> -> memref<80xi32, #tpu.memory_space<vmem>>
        %dma_wait3A_41 = arith.constant 0 : i32
        %dma_wait3A_42 = arith.constant 0 : i32
        %dma_wait3A_43 = tpu.memref_slice %arg2[%dma_wait3A_41, %dma_wait3A_42] : memref<10000x128xf32, #tpu.memory_space<hbm>> -> memref<10000x128xf32, #tpu.memory_space<hbm>>
        tpu.wait_indirect_dma semaphore(%arg13 : memref<!tpu.dma_semaphore, #tpu.memory_space<semaphore_mem>>) src(%dma_wait3A_43 : memref<10000x128xf32, #tpu.memory_space<hbm>>) dst(%arg11 : memref<80x128xf32, #tpu.memory_space<vmem>>)
        "tpu.region"() ({
          %run_scoped3A = tpu.sem_alloc : memref<!tpu.dma_semaphore, #tpu.memory_space<semaphore_mem>>
          %dma_start3A_44 = arith.constant 0 : i32
          %dma_start3A_45 = tpu.memref_slice %arg10[%scan3A_33, %dma_start3A_44] : memref<125x80xi32, #tpu.memory_space<vmem>> -> memref<1x80xi32, #tpu.memory_space<vmem>>
          %dma_start3A_46 = tpu.memref_squeeze %dma_start3A_45 : memref<1x80xi32, #tpu.memory_space<vmem>> -> memref<80xi32, #tpu.memory_space<vmem>>
          %dma_start3A_47 = arith.constant 0 : i32
          %dma_start3A_48 = arith.constant 0 : i32
          %dma_start3A_49 = tpu.memref_slice %arg12[%dma_start3A_47, %dma_start3A_48] : memref<10000x128xf32, #tpu.memory_space<vmem_shared>> -> memref<10000x128xf32, #tpu.memory_space<vmem_shared>>
          tpu.enqueue_indirect_dma source(%arg11 : memref<80x128xf32, #tpu.memory_space<vmem>>) target(%dma_start3A_49 : memref<10000x128xf32, #tpu.memory_space<vmem_shared>>) offsets(%dma_start3A_46 : memref<80xi32, #tpu.memory_space<vmem>>) semaphore(%run_scoped3A : memref<!tpu.dma_semaphore, #tpu.memory_space<semaphore_mem>>) {add = true}
          %dma_wait3A_50 = arith.constant 0 : i32
          %dma_wait3A_51 = tpu.memref_slice %arg10[%scan3A_33, %dma_wait3A_50] : memref<125x80xi32, #tpu.memory_space<vmem>> -> memref<1x80xi32, #tpu.memory_space<vmem>>
          %dma_wait3A_52 = tpu.memref_squeeze %dma_wait3A_51 : memref<1x80xi32, #tpu.memory_space<vmem>> -> memref<80xi32, #tpu.memory_space<vmem>>
          %dma_wait3A_53 = arith.constant 0 : i32
          %dma_wait3A_54 = arith.constant 0 : i32
          %dma_wait3A_55 = tpu.memref_slice %arg12[%dma_wait3A_53, %dma_wait3A_54] : memref<10000x128xf32, #tpu.memory_space<vmem_shared>> -> memref<10000x128xf32, #tpu.memory_space<vmem_shared>>
          tpu.wait_indirect_dma semaphore(%run_scoped3A : memref<!tpu.dma_semaphore, #tpu.memory_space<semaphore_mem>>) src(%arg11 : memref<80x128xf32, #tpu.memory_space<vmem>>) dst(%dma_wait3A_55 : memref<10000x128xf32, #tpu.memory_space<vmem_shared>>)
          tpu.yield
        }) : () -> ()
      }
      %scan3A_32 = arith.constant 125 : i32
    } else {
    }
    %eq3A_12 = arith.constant 1 : i32
    %eq3A_13 = arith.cmpi eq, %arg0, %eq3A_12 : i32
    %convert_element_type3A_14 = arith.extui %eq3A_13 : i1 to i32
    %cond3A_15 = arith.constant 0 : i32
    %cond3A_16 = arith.cmpi ne, %convert_element_type3A_14, %cond3A_15 : i32
    scf.if %cond3A_16 {
      %scan3A = arith.constant 0 : i32
      %scan3A_28 = arith.constant 0 : i32
      %scan3A_29 = arith.constant 125 : i32
      %scan3A_30 = arith.addi %scan3A_28, %scan3A_29 : i32
      %scan3A_31 = arith.constant 1 : i32
      scf.for %scan3A_33 = %scan3A_28 to %scan3A_30 step %scan3A_31  : i32 {
        %dma_start3A = arith.constant 0 : i32
        %dma_start3A_34 = tpu.memref_slice %arg9[%scan3A_33, %dma_start3A] : memref<125x80xi32, #tpu.memory_space<vmem>> -> memref<1x80xi32, #tpu.memory_space<vmem>>
        %dma_start3A_35 = tpu.memref_squeeze %dma_start3A_34 : memref<1x80xi32, #tpu.memory_space<vmem>> -> memref<80xi32, #tpu.memory_space<vmem>>
        %dma_start3A_36 = arith.constant 0 : i32
        %dma_start3A_37 = arith.constant 0 : i32
        %dma_start3A_38 = tpu.memref_slice %arg3[%dma_start3A_36, %dma_start3A_37] : memref<10000x128xf32, #tpu.memory_space<hbm>> -> memref<10000x128xf32, #tpu.memory_space<hbm>>
        tpu.enqueue_indirect_dma source(%dma_start3A_38 : memref<10000x128xf32, #tpu.memory_space<hbm>>) target(%arg11 : memref<80x128xf32, #tpu.memory_space<vmem>>) offsets(%dma_start3A_35 : memref<80xi32, #tpu.memory_space<vmem>>) semaphore(%arg13 : memref<!tpu.dma_semaphore, #tpu.memory_space<semaphore_mem>>)
        %dma_wait3A = arith.constant 0 : i32
        %dma_wait3A_39 = tpu.memref_slice %arg9[%scan3A_33, %dma_wait3A] : memref<125x80xi32, #tpu.memory_space<vmem>> -> memref<1x80xi32, #tpu.memory_space<vmem>>
        %dma_wait3A_40 = tpu.memref_squeeze %dma_wait3A_39 : memref<1x80xi32, #tpu.memory_space<vmem>> -> memref<80xi32, #tpu.memory_space<vmem>>
        %dma_wait3A_41 = arith.constant 0 : i32
        %dma_wait3A_42 = arith.constant 0 : i32
        %dma_wait3A_43 = tpu.memref_slice %arg3[%dma_wait3A_41, %dma_wait3A_42] : memref<10000x128xf32, #tpu.memory_space<hbm>> -> memref<10000x128xf32, #tpu.memory_space<hbm>>
        tpu.wait_indirect_dma semaphore(%arg13 : memref<!tpu.dma_semaphore, #tpu.memory_space<semaphore_mem>>) src(%dma_wait3A_43 : memref<10000x128xf32, #tpu.memory_space<hbm>>) dst(%arg11 : memref<80x128xf32, #tpu.memory_space<vmem>>)
        "tpu.region"() ({
          %run_scoped3A = tpu.sem_alloc : memref<!tpu.dma_semaphore, #tpu.memory_space<semaphore_mem>>
          %dma_start3A_44 = arith.constant 0 : i32
          %dma_start3A_45 = tpu.memref_slice %arg10[%scan3A_33, %dma_start3A_44] : memref<125x80xi32, #tpu.memory_space<vmem>> -> memref<1x80xi32, #tpu.memory_space<vmem>>
          %dma_start3A_46 = tpu.memref_squeeze %dma_start3A_45 : memref<1x80xi32, #tpu.memory_space<vmem>> -> memref<80xi32, #tpu.memory_space<vmem>>
          %dma_start3A_47 = arith.constant 0 : i32
          %dma_start3A_48 = arith.constant 0 : i32
          %dma_start3A_49 = tpu.memref_slice %arg12[%dma_start3A_47, %dma_start3A_48] : memref<10000x128xf32, #tpu.memory_space<vmem_shared>> -> memref<10000x128xf32, #tpu.memory_space<vmem_shared>>
          tpu.enqueue_indirect_dma source(%arg11 : memref<80x128xf32, #tpu.memory_space<vmem>>) target(%dma_start3A_49 : memref<10000x128xf32, #tpu.memory_space<vmem_shared>>) offsets(%dma_start3A_46 : memref<80xi32, #tpu.memory_space<vmem>>) semaphore(%run_scoped3A : memref<!tpu.dma_semaphore, #tpu.memory_space<semaphore_mem>>) {add = true}
          %dma_wait3A_50 = arith.constant 0 : i32
          %dma_wait3A_51 = tpu.memref_slice %arg10[%scan3A_33, %dma_wait3A_50] : memref<125x80xi32, #tpu.memory_space<vmem>> -> memref<1x80xi32, #tpu.memory_space<vmem>>
          %dma_wait3A_52 = tpu.memref_squeeze %dma_wait3A_51 : memref<1x80xi32, #tpu.memory_space<vmem>> -> memref<80xi32, #tpu.memory_space<vmem>>
          %dma_wait3A_53 = arith.constant 0 : i32
          %dma_wait3A_54 = arith.constant 0 : i32
          %dma_wait3A_55 = tpu.memref_slice %arg12[%dma_wait3A_53, %dma_wait3A_54] : memref<10000x128xf32, #tpu.memory_space<vmem_shared>> -> memref<10000x128xf32, #tpu.memory_space<vmem_shared>>
          tpu.wait_indirect_dma semaphore(%run_scoped3A : memref<!tpu.dma_semaphore, #tpu.memory_space<semaphore_mem>>) src(%arg11 : memref<80x128xf32, #tpu.memory_space<vmem>>) dst(%dma_wait3A_55 : memref<10000x128xf32, #tpu.memory_space<vmem_shared>>)
          tpu.yield
        }) : () -> ()
      }
      %scan3A_32 = arith.constant 125 : i32
    } else {
    }
    %barrier3A_17 = arith.constant 0 : index
    tpu.barrier barrier_id(%barrier3A_17)
    %eq3A_18 = arith.constant 0 : i32
    %eq3A_19 = arith.cmpi eq, %arg0, %eq3A_18 : i32
    %convert_element_type3A_20 = arith.extui %eq3A_19 : i1 to i32
    %cond3A_21 = arith.constant 0 : i32
    %cond3A_22 = arith.cmpi ne, %convert_element_type3A_20, %cond3A_21 : i32
    scf.if %cond3A_22 {
      %lt3A_28 = arith.constant 15 : i32
      %lt3A_29 = arith.cmpi slt, %arg1, %lt3A_28 : i32
      %convert_element_type3A_30 = arith.extui %lt3A_29 : i1 to i32
      %cond3A_31 = arith.constant 0 : i32
      %cond3A_32 = arith.cmpi ne, %convert_element_type3A_30, %cond3A_31 : i32
      scf.if %cond3A_32 {
        "tpu.region"() ({
          %run_scoped3A = tpu.sem_alloc : memref<!tpu.dma_semaphore, #tpu.memory_space<semaphore_mem>>
          %dma_start3A = arith.constant 0 : i32
          %dma_start3A_38 = tpu.memref_slice %arg7[%multiple_of3A, %dma_start3A] : memref<10000x128xf32, #tpu.memory_space<hbm>> -> memref<624x128xf32, #tpu.memory_space<hbm>>
          %dma_start3A_39 = arith.constant 0 : i32
          %dma_start3A_40 = tpu.memref_slice %arg12[%multiple_of3A, %dma_start3A_39] : memref<10000x128xf32, #tpu.memory_space<vmem_shared>> -> memref<624x128xf32, #tpu.memory_space<vmem_shared>>
          tpu.enqueue_dma source(%dma_start3A_40 : memref<624x128xf32, #tpu.memory_space<vmem_shared>>) target(%dma_start3A_38 : memref<624x128xf32, #tpu.memory_space<hbm>>) target_semaphore(%run_scoped3A : memref<!tpu.dma_semaphore, #tpu.memory_space<semaphore_mem>>)
          %dma_wait3A = arith.constant 0 : i32
          %dma_wait3A_41 = tpu.memref_slice %arg7[%multiple_of3A, %dma_wait3A] : memref<10000x128xf32, #tpu.memory_space<hbm>> -> memref<624x128xf32, #tpu.memory_space<hbm>>
          %dma_wait3A_42 = arith.constant 0 : i32
          %dma_wait3A_43 = tpu.memref_slice %arg12[%multiple_of3A, %dma_wait3A_42] : memref<10000x128xf32, #tpu.memory_space<vmem_shared>> -> memref<624x128xf32, #tpu.memory_space<vmem_shared>>
          tpu.wait_dma2 semaphore(%run_scoped3A : memref<!tpu.dma_semaphore, #tpu.memory_space<semaphore_mem>>) src(%dma_wait3A_43 : memref<624x128xf32, #tpu.memory_space<vmem_shared>>) dst(%dma_wait3A_41 : memref<624x128xf32, #tpu.memory_space<hbm>>)
          tpu.yield
        }) : () -> ()
      } else {
      }
      %eq3A_33 = arith.constant 15 : i32
      %eq3A_34 = arith.cmpi eq, %arg1, %eq3A_33 : i32
      %convert_element_type3A_35 = arith.extui %eq3A_34 : i1 to i32
      %cond3A_36 = arith.constant 0 : i32
      %cond3A_37 = arith.cmpi ne, %convert_element_type3A_35, %cond3A_36 : i32
      scf.if %cond3A_37 {
        "tpu.region"() ({
          %run_scoped3A = tpu.sem_alloc : memref<!tpu.dma_semaphore, #tpu.memory_space<semaphore_mem>>
          %dma_start3A = arith.constant 9360 : i32
          %dma_start3A_38 = arith.constant 0 : i32
          %dma_start3A_39 = tpu.memref_slice %arg7[%dma_start3A, %dma_start3A_38] : memref<10000x128xf32, #tpu.memory_space<hbm>> -> memref<640x128xf32, #tpu.memory_space<hbm>>
          %dma_start3A_40 = arith.constant 9360 : i32
          %dma_start3A_41 = arith.constant 0 : i32
          %dma_start3A_42 = tpu.memref_slice %arg12[%dma_start3A_40, %dma_start3A_41] : memref<10000x128xf32, #tpu.memory_space<vmem_shared>> -> memref<640x128xf32, #tpu.memory_space<vmem_shared>>
          tpu.enqueue_dma source(%dma_start3A_42 : memref<640x128xf32, #tpu.memory_space<vmem_shared>>) target(%dma_start3A_39 : memref<640x128xf32, #tpu.memory_space<hbm>>) target_semaphore(%run_scoped3A : memref<!tpu.dma_semaphore, #tpu.memory_space<semaphore_mem>>)
          %dma_wait3A = arith.constant 9360 : i32
          %dma_wait3A_43 = arith.constant 0 : i32
          %dma_wait3A_44 = tpu.memref_slice %arg7[%dma_wait3A, %dma_wait3A_43] : memref<10000x128xf32, #tpu.memory_space<hbm>> -> memref<640x128xf32, #tpu.memory_space<hbm>>
          %dma_wait3A_45 = arith.constant 9360 : i32
          %dma_wait3A_46 = arith.constant 0 : i32
          %dma_wait3A_47 = tpu.memref_slice %arg12[%dma_wait3A_45, %dma_wait3A_46] : memref<10000x128xf32, #tpu.memory_space<vmem_shared>> -> memref<640x128xf32, #tpu.memory_space<vmem_shared>>
          tpu.wait_dma2 semaphore(%run_scoped3A : memref<!tpu.dma_semaphore, #tpu.memory_space<semaphore_mem>>) src(%dma_wait3A_47 : memref<640x128xf32, #tpu.memory_space<vmem_shared>>) dst(%dma_wait3A_44 : memref<640x128xf32, #tpu.memory_space<hbm>>)
          tpu.yield
        }) : () -> ()
      } else {
      }
    } else {
    }
    %eq3A_23 = arith.constant 1 : i32
    %eq3A_24 = arith.cmpi eq, %arg0, %eq3A_23 : i32
    %convert_element_type3A_25 = arith.extui %eq3A_24 : i1 to i32
    %cond3A_26 = arith.constant 0 : i32
    %cond3A_27 = arith.cmpi ne, %convert_element_type3A_25, %cond3A_26 : i32
    scf.if %cond3A_27 {
      %lt3A_28 = arith.constant 15 : i32
      %lt3A_29 = arith.cmpi slt, %arg1, %lt3A_28 : i32
      %convert_element_type3A_30 = arith.extui %lt3A_29 : i1 to i32
      %cond3A_31 = arith.constant 0 : i32
      %cond3A_32 = arith.cmpi ne, %convert_element_type3A_30, %cond3A_31 : i32
      scf.if %cond3A_32 {
        "tpu.region"() ({
          %run_scoped3A = tpu.sem_alloc : memref<!tpu.dma_semaphore, #tpu.memory_space<semaphore_mem>>
          %dma_start3A = arith.constant 0 : i32
          %dma_start3A_38 = tpu.memref_slice %arg8[%multiple_of3A, %dma_start3A] : memref<10000x128xf32, #tpu.memory_space<hbm>> -> memref<624x128xf32, #tpu.memory_space<hbm>>
          %dma_start3A_39 = arith.constant 0 : i32
          %dma_start3A_40 = tpu.memref_slice %arg12[%multiple_of3A, %dma_start3A_39] : memref<10000x128xf32, #tpu.memory_space<vmem_shared>> -> memref<624x128xf32, #tpu.memory_space<vmem_shared>>
          tpu.enqueue_dma source(%dma_start3A_40 : memref<624x128xf32, #tpu.memory_space<vmem_shared>>) target(%dma_start3A_38 : memref<624x128xf32, #tpu.memory_space<hbm>>) target_semaphore(%run_scoped3A : memref<!tpu.dma_semaphore, #tpu.memory_space<semaphore_mem>>)
          %dma_wait3A = arith.constant 0 : i32
          %dma_wait3A_41 = tpu.memref_slice %arg8[%multiple_of3A, %dma_wait3A] : memref<10000x128xf32, #tpu.memory_space<hbm>> -> memref<624x128xf32, #tpu.memory_space<hbm>>
          %dma_wait3A_42 = arith.constant 0 : i32
          %dma_wait3A_43 = tpu.memref_slice %arg12[%multiple_of3A, %dma_wait3A_42] : memref<10000x128xf32, #tpu.memory_space<vmem_shared>> -> memref<624x128xf32, #tpu.memory_space<vmem_shared>>
          tpu.wait_dma2 semaphore(%run_scoped3A : memref<!tpu.dma_semaphore, #tpu.memory_space<semaphore_mem>>) src(%dma_wait3A_43 : memref<624x128xf32, #tpu.memory_space<vmem_shared>>) dst(%dma_wait3A_41 : memref<624x128xf32, #tpu.memory_space<hbm>>)
          tpu.yield
        }) : () -> ()
      } else {
      }
      %eq3A_33 = arith.constant 15 : i32
      %eq3A_34 = arith.cmpi eq, %arg1, %eq3A_33 : i32
      %convert_element_type3A_35 = arith.extui %eq3A_34 : i1 to i32
      %cond3A_36 = arith.constant 0 : i32
      %cond3A_37 = arith.cmpi ne, %convert_element_type3A_35, %cond3A_36 : i32
      scf.if %cond3A_37 {
        "tpu.region"() ({
          %run_scoped3A = tpu.sem_alloc : memref<!tpu.dma_semaphore, #tpu.memory_space<semaphore_mem>>
          %dma_start3A = arith.constant 9360 : i32
          %dma_start3A_38 = arith.constant 0 : i32
          %dma_start3A_39 = tpu.memref_slice %arg8[%dma_start3A, %dma_start3A_38] : memref<10000x128xf32, #tpu.memory_space<hbm>> -> memref<640x128xf32, #tpu.memory_space<hbm>>
          %dma_start3A_40 = arith.constant 9360 : i32
          %dma_start3A_41 = arith.constant 0 : i32
          %dma_start3A_42 = tpu.memref_slice %arg12[%dma_start3A_40, %dma_start3A_41] : memref<10000x128xf32, #tpu.memory_space<vmem_shared>> -> memref<640x128xf32, #tpu.memory_space<vmem_shared>>
          tpu.enqueue_dma source(%dma_start3A_42 : memref<640x128xf32, #tpu.memory_space<vmem_shared>>) target(%dma_start3A_39 : memref<640x128xf32, #tpu.memory_space<hbm>>) target_semaphore(%run_scoped3A : memref<!tpu.dma_semaphore, #tpu.memory_space<semaphore_mem>>)
          %dma_wait3A = arith.constant 9360 : i32
          %dma_wait3A_43 = arith.constant 0 : i32
          %dma_wait3A_44 = tpu.memref_slice %arg8[%dma_wait3A, %dma_wait3A_43] : memref<10000x128xf32, #tpu.memory_space<hbm>> -> memref<640x128xf32, #tpu.memory_space<hbm>>
          %dma_wait3A_45 = arith.constant 9360 : i32
          %dma_wait3A_46 = arith.constant 0 : i32
          %dma_wait3A_47 = tpu.memref_slice %arg12[%dma_wait3A_45, %dma_wait3A_46] : memref<10000x128xf32, #tpu.memory_space<vmem_shared>> -> memref<640x128xf32, #tpu.memory_space<vmem_shared>>
          tpu.wait_dma2 semaphore(%run_scoped3A : memref<!tpu.dma_semaphore, #tpu.memory_space<semaphore_mem>>) src(%dma_wait3A_47 : memref<640x128xf32, #tpu.memory_space<vmem_shared>>) dst(%dma_wait3A_44 : memref<640x128xf32, #tpu.memory_space<hbm>>)
          tpu.yield
        }) : () -> ()
      } else {
      }
    } else {
    }
    return
  }
}

#map = affine_map<(d0, d1) -> (0, 0)>
#map1 = affine_map<(d0, d1) -> (0, 0, 0)>
module attributes {stable_mosaic.version = 14 : i64} {
  func.func @_sc_agg_body(%arg0: i32, %arg1: i32, %arg2: memref<10000x128xf32, #tpu.memory_space<hbm>>, %arg3: memref<10000x128xf32, #tpu.memory_space<hbm>>, %arg4: memref<16x125x80xi32, #tpu.memory_space<hbm>>, %arg5: memref<16x125x80xi32, #tpu.memory_space<hbm>>, %arg6: memref<10000x128xf32, #tpu.memory_space<hbm>>, %arg7: memref<10000x128xf32, #tpu.memory_space<hbm>>, %arg8: memref<10000x128xf32, #tpu.memory_space<hbm>>, %arg9: memref<125x80xi32, #tpu.memory_space<vmem>>, %arg10: memref<125x80xi32, #tpu.memory_space<vmem>>, %arg11: memref<80x128xf32, #tpu.memory_space<vmem>>, %arg12: memref<10000x128xf32, #tpu.memory_space<vmem_shared>>, %arg13: memref<!tpu.dma_semaphore, #tpu.memory_space<semaphore_mem>>) attributes {dimension_semantics = [#tpu.dimension_semantics<core_parallel>, #tpu.dimension_semantics<subcore_parallel>], iteration_bounds = array<i64: 2, 16>, scalar_prefetch = 0 : i64, scratch_operands = 5 : i64, tpu.core_type = #tpu.core_type<sc_vector_subcore>, window_params = [{transform_indices = #map}, {transform_indices = #map}, {transform_indices = #map1}, {transform_indices = #map1}, {transform_indices = #map}, {transform_indices = #map}, {transform_indices = #map}]} {
    %mul3A = arith.constant 624 : i32
    %mul3A_0 = arith.muli %arg1, %mul3A : i32
    %multiple_of3A = tpu.assume_multiple %mul3A_0, 8 : i32
    %lt3A = arith.constant 15 : i32
    %lt3A_1 = arith.cmpi slt, %arg1, %lt3A : i32
    %convert_element_type3A = arith.extui %lt3A_1 : i1 to i32
    %cond3A = arith.constant 0 : i32
    %cond3A_2 = arith.cmpi ne, %convert_element_type3A, %cond3A : i32
    scf.if %cond3A_2 {
      "tpu.region"() ({
        %run_scoped3A = tpu.sem_alloc : memref<!tpu.dma_semaphore, #tpu.memory_space<semaphore_mem>>
        %dma_start3A = arith.constant 0 : i32
        %dma_start3A_28 = tpu.memref_slice %arg12[%multiple_of3A, %dma_start3A] : memref<10000x128xf32, #tpu.memory_space<vmem_shared>> -> memref<624x128xf32, #tpu.memory_space<vmem_shared>>
        %dma_start3A_29 = arith.constant 0 : i32
        %dma_start3A_30 = tpu.memref_slice %arg6[%multiple_of3A, %dma_start3A_29] : memref<10000x128xf32, #tpu.memory_space<hbm>> -> memref<624x128xf32, #tpu.memory_space<hbm>>
        tpu.enqueue_dma source(%dma_start3A_30 : memref<624x128xf32, #tpu.memory_space<hbm>>) target(%dma_start3A_28 : memref<624x128xf32, #tpu.memory_space<vmem_shared>>) target_semaphore(%run_scoped3A : memref<!tpu.dma_semaphore, #tpu.memory_space<semaphore_mem>>)
        %dma_wait3A = arith.constant 0 : i32
        %dma_wait3A_31 = tpu.memref_slice %arg12[%multiple_of3A, %dma_wait3A] : memref<10000x128xf32, #tpu.memory_space<vmem_shared>> -> memref<624x128xf32, #tpu.memory_space<vmem_shared>>
        %dma_wait3A_32 = arith.constant 0 : i32
        %dma_wait3A_33 = tpu.memref_slice %arg6[%multiple_of3A, %dma_wait3A_32] : memref<10000x128xf32, #tpu.memory_space<hbm>> -> memref<624x128xf32, #tpu.memory_space<hbm>>
        tpu.wait_dma2 semaphore(%run_scoped3A : memref<!tpu.dma_semaphore, #tpu.memory_space<semaphore_mem>>) src(%dma_wait3A_33 : memref<624x128xf32, #tpu.memory_space<hbm>>) dst(%dma_wait3A_31 : memref<624x128xf32, #tpu.memory_space<vmem_shared>>)
        tpu.yield
      }) : () -> ()
    } else {
    }
    %eq3A = arith.constant 15 : i32
    %eq3A_3 = arith.cmpi eq, %arg1, %eq3A : i32
    %convert_element_type3A_4 = arith.extui %eq3A_3 : i1 to i32
    %cond3A_5 = arith.constant 0 : i32
    %cond3A_6 = arith.cmpi ne, %convert_element_type3A_4, %cond3A_5 : i32
    scf.if %cond3A_6 {
      "tpu.region"() ({
        %run_scoped3A = tpu.sem_alloc : memref<!tpu.dma_semaphore, #tpu.memory_space<semaphore_mem>>
        %dma_start3A = arith.constant 9360 : i32
        %dma_start3A_28 = arith.constant 0 : i32
        %dma_start3A_29 = tpu.memref_slice %arg12[%dma_start3A, %dma_start3A_28] : memref<10000x128xf32, #tpu.memory_space<vmem_shared>> -> memref<640x128xf32, #tpu.memory_space<vmem_shared>>
        %dma_start3A_30 = arith.constant 9360 : i32
        %dma_start3A_31 = arith.constant 0 : i32
        %dma_start3A_32 = tpu.memref_slice %arg6[%dma_start3A_30, %dma_start3A_31] : memref<10000x128xf32, #tpu.memory_space<hbm>> -> memref<640x128xf32, #tpu.memory_space<hbm>>
        tpu.enqueue_dma source(%dma_start3A_32 : memref<640x128xf32, #tpu.memory_space<hbm>>) target(%dma_start3A_29 : memref<640x128xf32, #tpu.memory_space<vmem_shared>>) target_semaphore(%run_scoped3A : memref<!tpu.dma_semaphore, #tpu.memory_space<semaphore_mem>>)
        %dma_wait3A = arith.constant 9360 : i32
        %dma_wait3A_33 = arith.constant 0 : i32
        %dma_wait3A_34 = tpu.memref_slice %arg12[%dma_wait3A, %dma_wait3A_33] : memref<10000x128xf32, #tpu.memory_space<vmem_shared>> -> memref<640x128xf32, #tpu.memory_space<vmem_shared>>
        %dma_wait3A_35 = arith.constant 9360 : i32
        %dma_wait3A_36 = arith.constant 0 : i32
        %dma_wait3A_37 = tpu.memref_slice %arg6[%dma_wait3A_35, %dma_wait3A_36] : memref<10000x128xf32, #tpu.memory_space<hbm>> -> memref<640x128xf32, #tpu.memory_space<hbm>>
        tpu.wait_dma2 semaphore(%run_scoped3A : memref<!tpu.dma_semaphore, #tpu.memory_space<semaphore_mem>>) src(%dma_wait3A_37 : memref<640x128xf32, #tpu.memory_space<hbm>>) dst(%dma_wait3A_34 : memref<640x128xf32, #tpu.memory_space<vmem_shared>>)
        tpu.yield
      }) : () -> ()
    } else {
    }
    %barrier3A = arith.constant 0 : index
    tpu.barrier barrier_id(%barrier3A)
    "tpu.region"() ({
      %run_scoped3A = tpu.sem_alloc : memref<!tpu.dma_semaphore, #tpu.memory_space<semaphore_mem>>
      %dma_start3A = arith.constant 0 : i32
      %dma_start3A_28 = arith.constant 0 : i32
      %dma_start3A_29 = tpu.memref_slice %arg4[%arg1, %dma_start3A, %dma_start3A_28] : memref<16x125x80xi32, #tpu.memory_space<hbm>> -> memref<1x125x80xi32, #tpu.memory_space<hbm>>
      %dma_start3A_30 = tpu.memref_squeeze %dma_start3A_29 : memref<1x125x80xi32, #tpu.memory_space<hbm>> -> memref<125x80xi32, #tpu.memory_space<hbm>>
      %dma_start3A_31 = arith.constant 0 : i32
      %dma_start3A_32 = arith.constant 0 : i32
      %dma_start3A_33 = tpu.memref_slice %arg4[%arg1, %dma_start3A_31, %dma_start3A_32] : memref<16x125x80xi32, #tpu.memory_space<hbm>> -> memref<1x125x80xi32, #tpu.memory_space<hbm>>
      %dma_start3A_34 = tpu.memref_squeeze %dma_start3A_33 : memref<1x125x80xi32, #tpu.memory_space<hbm>> -> memref<125x80xi32, #tpu.memory_space<hbm>>
      tpu.enqueue_dma source(%dma_start3A_34 : memref<125x80xi32, #tpu.memory_space<hbm>>) target(%arg9 : memref<125x80xi32, #tpu.memory_space<vmem>>) target_semaphore(%run_scoped3A : memref<!tpu.dma_semaphore, #tpu.memory_space<semaphore_mem>>)
      %dma_wait3A = arith.constant 0 : i32
      %dma_wait3A_35 = arith.constant 0 : i32
      %dma_wait3A_36 = tpu.memref_slice %arg4[%arg1, %dma_wait3A, %dma_wait3A_35] : memref<16x125x80xi32, #tpu.memory_space<hbm>> -> memref<1x125x80xi32, #tpu.memory_space<hbm>>
      %dma_wait3A_37 = tpu.memref_squeeze %dma_wait3A_36 : memref<1x125x80xi32, #tpu.memory_space<hbm>> -> memref<125x80xi32, #tpu.memory_space<hbm>>
      %dma_wait3A_38 = arith.constant 0 : i32
      %dma_wait3A_39 = arith.constant 0 : i32
      %dma_wait3A_40 = tpu.memref_slice %arg4[%arg1, %dma_wait3A_38, %dma_wait3A_39] : memref<16x125x80xi32, #tpu.memory_space<hbm>> -> memref<1x125x80xi32, #tpu.memory_space<hbm>>
      %dma_wait3A_41 = tpu.memref_squeeze %dma_wait3A_40 : memref<1x125x80xi32, #tpu.memory_space<hbm>> -> memref<125x80xi32, #tpu.memory_space<hbm>>
      tpu.wait_dma2 semaphore(%run_scoped3A : memref<!tpu.dma_semaphore, #tpu.memory_space<semaphore_mem>>) src(%dma_wait3A_41 : memref<125x80xi32, #tpu.memory_space<hbm>>) dst(%arg9 : memref<125x80xi32, #tpu.memory_space<vmem>>)
      tpu.yield
    }) : () -> ()
    "tpu.region"() ({
      %run_scoped3A = tpu.sem_alloc : memref<!tpu.dma_semaphore, #tpu.memory_space<semaphore_mem>>
      %dma_start3A = arith.constant 0 : i32
      %dma_start3A_28 = arith.constant 0 : i32
      %dma_start3A_29 = tpu.memref_slice %arg5[%arg1, %dma_start3A, %dma_start3A_28] : memref<16x125x80xi32, #tpu.memory_space<hbm>> -> memref<1x125x80xi32, #tpu.memory_space<hbm>>
      %dma_start3A_30 = tpu.memref_squeeze %dma_start3A_29 : memref<1x125x80xi32, #tpu.memory_space<hbm>> -> memref<125x80xi32, #tpu.memory_space<hbm>>
      %dma_start3A_31 = arith.constant 0 : i32
      %dma_start3A_32 = arith.constant 0 : i32
      %dma_start3A_33 = tpu.memref_slice %arg5[%arg1, %dma_start3A_31, %dma_start3A_32] : memref<16x125x80xi32, #tpu.memory_space<hbm>> -> memref<1x125x80xi32, #tpu.memory_space<hbm>>
      %dma_start3A_34 = tpu.memref_squeeze %dma_start3A_33 : memref<1x125x80xi32, #tpu.memory_space<hbm>> -> memref<125x80xi32, #tpu.memory_space<hbm>>
      tpu.enqueue_dma source(%dma_start3A_34 : memref<125x80xi32, #tpu.memory_space<hbm>>) target(%arg10 : memref<125x80xi32, #tpu.memory_space<vmem>>) target_semaphore(%run_scoped3A : memref<!tpu.dma_semaphore, #tpu.memory_space<semaphore_mem>>)
      %dma_wait3A = arith.constant 0 : i32
      %dma_wait3A_35 = arith.constant 0 : i32
      %dma_wait3A_36 = tpu.memref_slice %arg5[%arg1, %dma_wait3A, %dma_wait3A_35] : memref<16x125x80xi32, #tpu.memory_space<hbm>> -> memref<1x125x80xi32, #tpu.memory_space<hbm>>
      %dma_wait3A_37 = tpu.memref_squeeze %dma_wait3A_36 : memref<1x125x80xi32, #tpu.memory_space<hbm>> -> memref<125x80xi32, #tpu.memory_space<hbm>>
      %dma_wait3A_38 = arith.constant 0 : i32
      %dma_wait3A_39 = arith.constant 0 : i32
      %dma_wait3A_40 = tpu.memref_slice %arg5[%arg1, %dma_wait3A_38, %dma_wait3A_39] : memref<16x125x80xi32, #tpu.memory_space<hbm>> -> memref<1x125x80xi32, #tpu.memory_space<hbm>>
      %dma_wait3A_41 = tpu.memref_squeeze %dma_wait3A_40 : memref<1x125x80xi32, #tpu.memory_space<hbm>> -> memref<125x80xi32, #tpu.memory_space<hbm>>
      tpu.wait_dma2 semaphore(%run_scoped3A : memref<!tpu.dma_semaphore, #tpu.memory_space<semaphore_mem>>) src(%dma_wait3A_41 : memref<125x80xi32, #tpu.memory_space<hbm>>) dst(%arg10 : memref<125x80xi32, #tpu.memory_space<vmem>>)
      tpu.yield
    }) : () -> ()
    %eq3A_7 = arith.constant 0 : i32
    %eq3A_8 = arith.cmpi eq, %arg0, %eq3A_7 : i32
    %convert_element_type3A_9 = arith.extui %eq3A_8 : i1 to i32
    %cond3A_10 = arith.constant 0 : i32
    %cond3A_11 = arith.cmpi ne, %convert_element_type3A_9, %cond3A_10 : i32
    scf.if %cond3A_11 {
      %scan3A = arith.constant 0 : i32
      %scan3A_28 = arith.constant 0 : i32
      %scan3A_29 = arith.constant 125 : i32
      %scan3A_30 = arith.addi %scan3A_28, %scan3A_29 : i32
      %scan3A_31 = arith.constant 1 : i32
      scf.for %scan3A_33 = %scan3A_28 to %scan3A_30 step %scan3A_31  : i32 {
        %dma_start3A = arith.constant 0 : i32
        %dma_start3A_34 = tpu.memref_slice %arg9[%scan3A_33, %dma_start3A] : memref<125x80xi32, #tpu.memory_space<vmem>> -> memref<1x80xi32, #tpu.memory_space<vmem>>
        %dma_start3A_35 = tpu.memref_squeeze %dma_start3A_34 : memref<1x80xi32, #tpu.memory_space<vmem>> -> memref<80xi32, #tpu.memory_space<vmem>>
        %dma_start3A_36 = arith.constant 0 : i32
        %dma_start3A_37 = arith.constant 0 : i32
        %dma_start3A_38 = tpu.memref_slice %arg2[%dma_start3A_36, %dma_start3A_37] : memref<10000x128xf32, #tpu.memory_space<hbm>> -> memref<10000x128xf32, #tpu.memory_space<hbm>>
        tpu.enqueue_indirect_dma source(%dma_start3A_38 : memref<10000x128xf32, #tpu.memory_space<hbm>>) target(%arg11 : memref<80x128xf32, #tpu.memory_space<vmem>>) offsets(%dma_start3A_35 : memref<80xi32, #tpu.memory_space<vmem>>) semaphore(%arg13 : memref<!tpu.dma_semaphore, #tpu.memory_space<semaphore_mem>>)
        %dma_wait3A = arith.constant 0 : i32
        %dma_wait3A_39 = tpu.memref_slice %arg9[%scan3A_33, %dma_wait3A] : memref<125x80xi32, #tpu.memory_space<vmem>> -> memref<1x80xi32, #tpu.memory_space<vmem>>
        %dma_wait3A_40 = tpu.memref_squeeze %dma_wait3A_39 : memref<1x80xi32, #tpu.memory_space<vmem>> -> memref<80xi32, #tpu.memory_space<vmem>>
        %dma_wait3A_41 = arith.constant 0 : i32
        %dma_wait3A_42 = arith.constant 0 : i32
        %dma_wait3A_43 = tpu.memref_slice %arg2[%dma_wait3A_41, %dma_wait3A_42] : memref<10000x128xf32, #tpu.memory_space<hbm>> -> memref<10000x128xf32, #tpu.memory_space<hbm>>
        tpu.wait_indirect_dma semaphore(%arg13 : memref<!tpu.dma_semaphore, #tpu.memory_space<semaphore_mem>>) src(%dma_wait3A_43 : memref<10000x128xf32, #tpu.memory_space<hbm>>) dst(%arg11 : memref<80x128xf32, #tpu.memory_space<vmem>>)
        "tpu.region"() ({
          %run_scoped3A = tpu.sem_alloc : memref<!tpu.dma_semaphore, #tpu.memory_space<semaphore_mem>>
          %dma_start3A_44 = arith.constant 0 : i32
          %dma_start3A_45 = tpu.memref_slice %arg10[%scan3A_33, %dma_start3A_44] : memref<125x80xi32, #tpu.memory_space<vmem>> -> memref<1x80xi32, #tpu.memory_space<vmem>>
          %dma_start3A_46 = tpu.memref_squeeze %dma_start3A_45 : memref<1x80xi32, #tpu.memory_space<vmem>> -> memref<80xi32, #tpu.memory_space<vmem>>
          %dma_start3A_47 = arith.constant 0 : i32
          %dma_start3A_48 = arith.constant 0 : i32
          %dma_start3A_49 = tpu.memref_slice %arg12[%dma_start3A_47, %dma_start3A_48] : memref<10000x128xf32, #tpu.memory_space<vmem_shared>> -> memref<10000x128xf32, #tpu.memory_space<vmem_shared>>
          tpu.enqueue_indirect_dma source(%arg11 : memref<80x128xf32, #tpu.memory_space<vmem>>) target(%dma_start3A_49 : memref<10000x128xf32, #tpu.memory_space<vmem_shared>>) offsets(%dma_start3A_46 : memref<80xi32, #tpu.memory_space<vmem>>) semaphore(%run_scoped3A : memref<!tpu.dma_semaphore, #tpu.memory_space<semaphore_mem>>) {add = true}
          %dma_wait3A_50 = arith.constant 0 : i32
          %dma_wait3A_51 = tpu.memref_slice %arg10[%scan3A_33, %dma_wait3A_50] : memref<125x80xi32, #tpu.memory_space<vmem>> -> memref<1x80xi32, #tpu.memory_space<vmem>>
          %dma_wait3A_52 = tpu.memref_squeeze %dma_wait3A_51 : memref<1x80xi32, #tpu.memory_space<vmem>> -> memref<80xi32, #tpu.memory_space<vmem>>
          %dma_wait3A_53 = arith.constant 0 : i32
          %dma_wait3A_54 = arith.constant 0 : i32
          %dma_wait3A_55 = tpu.memref_slice %arg12[%dma_wait3A_53, %dma_wait3A_54] : memref<10000x128xf32, #tpu.memory_space<vmem_shared>> -> memref<10000x128xf32, #tpu.memory_space<vmem_shared>>
          tpu.wait_indirect_dma semaphore(%run_scoped3A : memref<!tpu.dma_semaphore, #tpu.memory_space<semaphore_mem>>) src(%arg11 : memref<80x128xf32, #tpu.memory_space<vmem>>) dst(%dma_wait3A_55 : memref<10000x128xf32, #tpu.memory_space<vmem_shared>>)
          tpu.yield
        }) : () -> ()
      }
      %scan3A_32 = arith.constant 125 : i32
    } else {
    }
    %eq3A_12 = arith.constant 1 : i32
    %eq3A_13 = arith.cmpi eq, %arg0, %eq3A_12 : i32
    %convert_element_type3A_14 = arith.extui %eq3A_13 : i1 to i32
    %cond3A_15 = arith.constant 0 : i32
    %cond3A_16 = arith.cmpi ne, %convert_element_type3A_14, %cond3A_15 : i32
    scf.if %cond3A_16 {
      %scan3A = arith.constant 0 : i32
      %scan3A_28 = arith.constant 0 : i32
      %scan3A_29 = arith.constant 125 : i32
      %scan3A_30 = arith.addi %scan3A_28, %scan3A_29 : i32
      %scan3A_31 = arith.constant 1 : i32
      scf.for %scan3A_33 = %scan3A_28 to %scan3A_30 step %scan3A_31  : i32 {
        %dma_start3A = arith.constant 0 : i32
        %dma_start3A_34 = tpu.memref_slice %arg9[%scan3A_33, %dma_start3A] : memref<125x80xi32, #tpu.memory_space<vmem>> -> memref<1x80xi32, #tpu.memory_space<vmem>>
        %dma_start3A_35 = tpu.memref_squeeze %dma_start3A_34 : memref<1x80xi32, #tpu.memory_space<vmem>> -> memref<80xi32, #tpu.memory_space<vmem>>
        %dma_start3A_36 = arith.constant 0 : i32
        %dma_start3A_37 = arith.constant 0 : i32
        %dma_start3A_38 = tpu.memref_slice %arg3[%dma_start3A_36, %dma_start3A_37] : memref<10000x128xf32, #tpu.memory_space<hbm>> -> memref<10000x128xf32, #tpu.memory_space<hbm>>
        tpu.enqueue_indirect_dma source(%dma_start3A_38 : memref<10000x128xf32, #tpu.memory_space<hbm>>) target(%arg11 : memref<80x128xf32, #tpu.memory_space<vmem>>) offsets(%dma_start3A_35 : memref<80xi32, #tpu.memory_space<vmem>>) semaphore(%arg13 : memref<!tpu.dma_semaphore, #tpu.memory_space<semaphore_mem>>)
        %dma_wait3A = arith.constant 0 : i32
        %dma_wait3A_39 = tpu.memref_slice %arg9[%scan3A_33, %dma_wait3A] : memref<125x80xi32, #tpu.memory_space<vmem>> -> memref<1x80xi32, #tpu.memory_space<vmem>>
        %dma_wait3A_40 = tpu.memref_squeeze %dma_wait3A_39 : memref<1x80xi32, #tpu.memory_space<vmem>> -> memref<80xi32, #tpu.memory_space<vmem>>
        %dma_wait3A_41 = arith.constant 0 : i32
        %dma_wait3A_42 = arith.constant 0 : i32
        %dma_wait3A_43 = tpu.memref_slice %arg3[%dma_wait3A_41, %dma_wait3A_42] : memref<10000x128xf32, #tpu.memory_space<hbm>> -> memref<10000x128xf32, #tpu.memory_space<hbm>>
        tpu.wait_indirect_dma semaphore(%arg13 : memref<!tpu.dma_semaphore, #tpu.memory_space<semaphore_mem>>) src(%dma_wait3A_43 : memref<10000x128xf32, #tpu.memory_space<hbm>>) dst(%arg11 : memref<80x128xf32, #tpu.memory_space<vmem>>)
        "tpu.region"() ({
          %run_scoped3A = tpu.sem_alloc : memref<!tpu.dma_semaphore, #tpu.memory_space<semaphore_mem>>
          %dma_start3A_44 = arith.constant 0 : i32
          %dma_start3A_45 = tpu.memref_slice %arg10[%scan3A_33, %dma_start3A_44] : memref<125x80xi32, #tpu.memory_space<vmem>> -> memref<1x80xi32, #tpu.memory_space<vmem>>
          %dma_start3A_46 = tpu.memref_squeeze %dma_start3A_45 : memref<1x80xi32, #tpu.memory_space<vmem>> -> memref<80xi32, #tpu.memory_space<vmem>>
          %dma_start3A_47 = arith.constant 0 : i32
          %dma_start3A_48 = arith.constant 0 : i32
          %dma_start3A_49 = tpu.memref_slice %arg12[%dma_start3A_47, %dma_start3A_48] : memref<10000x128xf32, #tpu.memory_space<vmem_shared>> -> memref<10000x128xf32, #tpu.memory_space<vmem_shared>>
          tpu.enqueue_indirect_dma source(%arg11 : memref<80x128xf32, #tpu.memory_space<vmem>>) target(%dma_start3A_49 : memref<10000x128xf32, #tpu.memory_space<vmem_shared>>) offsets(%dma_start3A_46 : memref<80xi32, #tpu.memory_space<vmem>>) semaphore(%run_scoped3A : memref<!tpu.dma_semaphore, #tpu.memory_space<semaphore_mem>>) {add = true}
          %dma_wait3A_50 = arith.constant 0 : i32
          %dma_wait3A_51 = tpu.memref_slice %arg10[%scan3A_33, %dma_wait3A_50] : memref<125x80xi32, #tpu.memory_space<vmem>> -> memref<1x80xi32, #tpu.memory_space<vmem>>
          %dma_wait3A_52 = tpu.memref_squeeze %dma_wait3A_51 : memref<1x80xi32, #tpu.memory_space<vmem>> -> memref<80xi32, #tpu.memory_space<vmem>>
          %dma_wait3A_53 = arith.constant 0 : i32
          %dma_wait3A_54 = arith.constant 0 : i32
          %dma_wait3A_55 = tpu.memref_slice %arg12[%dma_wait3A_53, %dma_wait3A_54] : memref<10000x128xf32, #tpu.memory_space<vmem_shared>> -> memref<10000x128xf32, #tpu.memory_space<vmem_shared>>
          tpu.wait_indirect_dma semaphore(%run_scoped3A : memref<!tpu.dma_semaphore, #tpu.memory_space<semaphore_mem>>) src(%arg11 : memref<80x128xf32, #tpu.memory_space<vmem>>) dst(%dma_wait3A_55 : memref<10000x128xf32, #tpu.memory_space<vmem_shared>>)
          tpu.yield
        }) : () -> ()
      }
      %scan3A_32 = arith.constant 125 : i32
    } else {
    }
    %barrier3A_17 = arith.constant 0 : index
    tpu.barrier barrier_id(%barrier3A_17)
    %eq3A_18 = arith.constant 0 : i32
    %eq3A_19 = arith.cmpi eq, %arg0, %eq3A_18 : i32
    %convert_element_type3A_20 = arith.extui %eq3A_19 : i1 to i32
    %cond3A_21 = arith.constant 0 : i32
    %cond3A_22 = arith.cmpi ne, %convert_element_type3A_20, %cond3A_21 : i32
    scf.if %cond3A_22 {
      %lt3A_28 = arith.constant 15 : i32
      %lt3A_29 = arith.cmpi slt, %arg1, %lt3A_28 : i32
      %convert_element_type3A_30 = arith.extui %lt3A_29 : i1 to i32
      %cond3A_31 = arith.constant 0 : i32
      %cond3A_32 = arith.cmpi ne, %convert_element_type3A_30, %cond3A_31 : i32
      scf.if %cond3A_32 {
        "tpu.region"() ({
          %run_scoped3A = tpu.sem_alloc : memref<!tpu.dma_semaphore, #tpu.memory_space<semaphore_mem>>
          %dma_start3A = arith.constant 0 : i32
          %dma_start3A_38 = tpu.memref_slice %arg7[%multiple_of3A, %dma_start3A] : memref<10000x128xf32, #tpu.memory_space<hbm>> -> memref<624x128xf32, #tpu.memory_space<hbm>>
          %dma_start3A_39 = arith.constant 0 : i32
          %dma_start3A_40 = tpu.memref_slice %arg12[%multiple_of3A, %dma_start3A_39] : memref<10000x128xf32, #tpu.memory_space<vmem_shared>> -> memref<624x128xf32, #tpu.memory_space<vmem_shared>>
          tpu.enqueue_dma source(%dma_start3A_40 : memref<624x128xf32, #tpu.memory_space<vmem_shared>>) target(%dma_start3A_38 : memref<624x128xf32, #tpu.memory_space<hbm>>) target_semaphore(%run_scoped3A : memref<!tpu.dma_semaphore, #tpu.memory_space<semaphore_mem>>)
          %dma_wait3A = arith.constant 0 : i32
          %dma_wait3A_41 = tpu.memref_slice %arg7[%multiple_of3A, %dma_wait3A] : memref<10000x128xf32, #tpu.memory_space<hbm>> -> memref<624x128xf32, #tpu.memory_space<hbm>>
          %dma_wait3A_42 = arith.constant 0 : i32
          %dma_wait3A_43 = tpu.memref_slice %arg12[%multiple_of3A, %dma_wait3A_42] : memref<10000x128xf32, #tpu.memory_space<vmem_shared>> -> memref<624x128xf32, #tpu.memory_space<vmem_shared>>
          tpu.wait_dma2 semaphore(%run_scoped3A : memref<!tpu.dma_semaphore, #tpu.memory_space<semaphore_mem>>) src(%dma_wait3A_43 : memref<624x128xf32, #tpu.memory_space<vmem_shared>>) dst(%dma_wait3A_41 : memref<624x128xf32, #tpu.memory_space<hbm>>)
          tpu.yield
        }) : () -> ()
      } else {
      }
      %eq3A_33 = arith.constant 15 : i32
      %eq3A_34 = arith.cmpi eq, %arg1, %eq3A_33 : i32
      %convert_element_type3A_35 = arith.extui %eq3A_34 : i1 to i32
      %cond3A_36 = arith.constant 0 : i32
      %cond3A_37 = arith.cmpi ne, %convert_element_type3A_35, %cond3A_36 : i32
      scf.if %cond3A_37 {
        "tpu.region"() ({
          %run_scoped3A = tpu.sem_alloc : memref<!tpu.dma_semaphore, #tpu.memory_space<semaphore_mem>>
          %dma_start3A = arith.constant 9360 : i32
          %dma_start3A_38 = arith.constant 0 : i32
          %dma_start3A_39 = tpu.memref_slice %arg7[%dma_start3A, %dma_start3A_38] : memref<10000x128xf32, #tpu.memory_space<hbm>> -> memref<640x128xf32, #tpu.memory_space<hbm>>
          %dma_start3A_40 = arith.constant 9360 : i32
          %dma_start3A_41 = arith.constant 0 : i32
          %dma_start3A_42 = tpu.memref_slice %arg12[%dma_start3A_40, %dma_start3A_41] : memref<10000x128xf32, #tpu.memory_space<vmem_shared>> -> memref<640x128xf32, #tpu.memory_space<vmem_shared>>
          tpu.enqueue_dma source(%dma_start3A_42 : memref<640x128xf32, #tpu.memory_space<vmem_shared>>) target(%dma_start3A_39 : memref<640x128xf32, #tpu.memory_space<hbm>>) target_semaphore(%run_scoped3A : memref<!tpu.dma_semaphore, #tpu.memory_space<semaphore_mem>>)
          %dma_wait3A = arith.constant 9360 : i32
          %dma_wait3A_43 = arith.constant 0 : i32
          %dma_wait3A_44 = tpu.memref_slice %arg7[%dma_wait3A, %dma_wait3A_43] : memref<10000x128xf32, #tpu.memory_space<hbm>> -> memref<640x128xf32, #tpu.memory_space<hbm>>
          %dma_wait3A_45 = arith.constant 9360 : i32
          %dma_wait3A_46 = arith.constant 0 : i32
          %dma_wait3A_47 = tpu.memref_slice %arg12[%dma_wait3A_45, %dma_wait3A_46] : memref<10000x128xf32, #tpu.memory_space<vmem_shared>> -> memref<640x128xf32, #tpu.memory_space<vmem_shared>>
          tpu.wait_dma2 semaphore(%run_scoped3A : memref<!tpu.dma_semaphore, #tpu.memory_space<semaphore_mem>>) src(%dma_wait3A_47 : memref<640x128xf32, #tpu.memory_space<vmem_shared>>) dst(%dma_wait3A_44 : memref<640x128xf32, #tpu.memory_space<hbm>>)
          tpu.yield
        }) : () -> ()
      } else {
      }
    } else {
    }
    %eq3A_23 = arith.constant 1 : i32
    %eq3A_24 = arith.cmpi eq, %arg0, %eq3A_23 : i32
    %convert_element_type3A_25 = arith.extui %eq3A_24 : i1 to i32
    %cond3A_26 = arith.constant 0 : i32
    %cond3A_27 = arith.cmpi ne, %convert_element_type3A_25, %cond3A_26 : i32
    scf.if %cond3A_27 {
      %lt3A_28 = arith.constant 15 : i32
      %lt3A_29 = arith.cmpi slt, %arg1, %lt3A_28 : i32
      %convert_element_type3A_30 = arith.extui %lt3A_29 : i1 to i32
      %cond3A_31 = arith.constant 0 : i32
      %cond3A_32 = arith.cmpi ne, %convert_element_type3A_30, %cond3A_31 : i32
      scf.if %cond3A_32 {
        "tpu.region"() ({
          %run_scoped3A = tpu.sem_alloc : memref<!tpu.dma_semaphore, #tpu.memory_space<semaphore_mem>>
          %dma_start3A = arith.constant 0 : i32
          %dma_start3A_38 = tpu.memref_slice %arg8[%multiple_of3A, %dma_start3A] : memref<10000x128xf32, #tpu.memory_space<hbm>> -> memref<624x128xf32, #tpu.memory_space<hbm>>
          %dma_start3A_39 = arith.constant 0 : i32
          %dma_start3A_40 = tpu.memref_slice %arg12[%multiple_of3A, %dma_start3A_39] : memref<10000x128xf32, #tpu.memory_space<vmem_shared>> -> memref<624x128xf32, #tpu.memory_space<vmem_shared>>
          tpu.enqueue_dma source(%dma_start3A_40 : memref<624x128xf32, #tpu.memory_space<vmem_shared>>) target(%dma_start3A_38 : memref<624x128xf32, #tpu.memory_space<hbm>>) target_semaphore(%run_scoped3A : memref<!tpu.dma_semaphore, #tpu.memory_space<semaphore_mem>>)
          %dma_wait3A = arith.constant 0 : i32
          %dma_wait3A_41 = tpu.memref_slice %arg8[%multiple_of3A, %dma_wait3A] : memref<10000x128xf32, #tpu.memory_space<hbm>> -> memref<624x128xf32, #tpu.memory_space<hbm>>
          %dma_wait3A_42 = arith.constant 0 : i32
          %dma_wait3A_43 = tpu.memref_slice %arg12[%multiple_of3A, %dma_wait3A_42] : memref<10000x128xf32, #tpu.memory_space<vmem_shared>> -> memref<624x128xf32, #tpu.memory_space<vmem_shared>>
          tpu.wait_dma2 semaphore(%run_scoped3A : memref<!tpu.dma_semaphore, #tpu.memory_space<semaphore_mem>>) src(%dma_wait3A_43 : memref<624x128xf32, #tpu.memory_space<vmem_shared>>) dst(%dma_wait3A_41 : memref<624x128xf32, #tpu.memory_space<hbm>>)
          tpu.yield
        }) : () -> ()
      } else {
      }
      %eq3A_33 = arith.constant 15 : i32
      %eq3A_34 = arith.cmpi eq, %arg1, %eq3A_33 : i32
      %convert_element_type3A_35 = arith.extui %eq3A_34 : i1 to i32
      %cond3A_36 = arith.constant 0 : i32
      %cond3A_37 = arith.cmpi ne, %convert_element_type3A_35, %cond3A_36 : i32
      scf.if %cond3A_37 {
        "tpu.region"() ({
          %run_scoped3A = tpu.sem_alloc : memref<!tpu.dma_semaphore, #tpu.memory_space<semaphore_mem>>
          %dma_start3A = arith.constant 9360 : i32
          %dma_start3A_38 = arith.constant 0 : i32
          %dma_start3A_39 = tpu.memref_slice %arg8[%dma_start3A, %dma_start3A_38] : memref<10000x128xf32, #tpu.memory_space<hbm>> -> memref<640x128xf32, #tpu.memory_space<hbm>>
          %dma_start3A_40 = arith.constant 9360 : i32
          %dma_start3A_41 = arith.constant 0 : i32
          %dma_start3A_42 = tpu.memref_slice %arg12[%dma_start3A_40, %dma_start3A_41] : memref<10000x128xf32, #tpu.memory_space<vmem_shared>> -> memref<640x128xf32, #tpu.memory_space<vmem_shared>>
          tpu.enqueue_dma source(%dma_start3A_42 : memref<640x128xf32, #tpu.memory_space<vmem_shared>>) target(%dma_start3A_39 : memref<640x128xf32, #tpu.memory_space<hbm>>) target_semaphore(%run_scoped3A : memref<!tpu.dma_semaphore, #tpu.memory_space<semaphore_mem>>)
          %dma_wait3A = arith.constant 9360 : i32
          %dma_wait3A_43 = arith.constant 0 : i32
          %dma_wait3A_44 = tpu.memref_slice %arg8[%dma_wait3A, %dma_wait3A_43] : memref<10000x128xf32, #tpu.memory_space<hbm>> -> memref<640x128xf32, #tpu.memory_space<hbm>>
          %dma_wait3A_45 = arith.constant 9360 : i32
          %dma_wait3A_46 = arith.constant 0 : i32
          %dma_wait3A_47 = tpu.memref_slice %arg12[%dma_wait3A_45, %dma_wait3A_46] : memref<10000x128xf32, #tpu.memory_space<vmem_shared>> -> memref<640x128xf32, #tpu.memory_space<vmem_shared>>
          tpu.wait_dma2 semaphore(%run_scoped3A : memref<!tpu.dma_semaphore, #tpu.memory_space<semaphore_mem>>) src(%dma_wait3A_47 : memref<640x128xf32, #tpu.memory_space<vmem_shared>>) dst(%dma_wait3A_44 : memref<640x128xf32, #tpu.memory_space<hbm>>)
          tpu.yield
        }) : () -> ()
      } else {
      }
    } else {
    }
    return
  }
}

#map = affine_map<(d0, d1) -> (0, 0)>
#map1 = affine_map<(d0, d1) -> (0, 0, 0)>
module attributes {stable_mosaic.version = 14 : i64} {
  func.func @_sc_agg_body(%arg0: i32, %arg1: i32, %arg2: memref<10000x128xf32, #tpu.memory_space<hbm>>, %arg3: memref<10000x128xf32, #tpu.memory_space<hbm>>, %arg4: memref<16x125x80xi32, #tpu.memory_space<hbm>>, %arg5: memref<16x125x80xi32, #tpu.memory_space<hbm>>, %arg6: memref<10000x128xf32, #tpu.memory_space<hbm>>, %arg7: memref<10000x128xf32, #tpu.memory_space<hbm>>, %arg8: memref<10000x128xf32, #tpu.memory_space<hbm>>, %arg9: memref<125x80xi32, #tpu.memory_space<vmem>>, %arg10: memref<125x80xi32, #tpu.memory_space<vmem>>, %arg11: memref<80x128xf32, #tpu.memory_space<vmem>>, %arg12: memref<10000x128xf32, #tpu.memory_space<vmem_shared>>, %arg13: memref<!tpu.dma_semaphore, #tpu.memory_space<semaphore_mem>>) attributes {dimension_semantics = [#tpu.dimension_semantics<core_parallel>, #tpu.dimension_semantics<subcore_parallel>], iteration_bounds = array<i64: 2, 16>, scalar_prefetch = 0 : i64, scratch_operands = 5 : i64, tpu.core_type = #tpu.core_type<sc_vector_subcore>, window_params = [{transform_indices = #map}, {transform_indices = #map}, {transform_indices = #map1}, {transform_indices = #map1}, {transform_indices = #map}, {transform_indices = #map}, {transform_indices = #map}]} {
    %mul3A = arith.constant 624 : i32
    %mul3A_0 = arith.muli %arg1, %mul3A : i32
    %multiple_of3A = tpu.assume_multiple %mul3A_0, 8 : i32
    %lt3A = arith.constant 15 : i32
    %lt3A_1 = arith.cmpi slt, %arg1, %lt3A : i32
    %convert_element_type3A = arith.extui %lt3A_1 : i1 to i32
    %cond3A = arith.constant 0 : i32
    %cond3A_2 = arith.cmpi ne, %convert_element_type3A, %cond3A : i32
    scf.if %cond3A_2 {
      "tpu.region"() ({
        %run_scoped3A = tpu.sem_alloc : memref<!tpu.dma_semaphore, #tpu.memory_space<semaphore_mem>>
        %dma_start3A = arith.constant 0 : i32
        %dma_start3A_28 = tpu.memref_slice %arg12[%multiple_of3A, %dma_start3A] : memref<10000x128xf32, #tpu.memory_space<vmem_shared>> -> memref<624x128xf32, #tpu.memory_space<vmem_shared>>
        %dma_start3A_29 = arith.constant 0 : i32
        %dma_start3A_30 = tpu.memref_slice %arg6[%multiple_of3A, %dma_start3A_29] : memref<10000x128xf32, #tpu.memory_space<hbm>> -> memref<624x128xf32, #tpu.memory_space<hbm>>
        tpu.enqueue_dma source(%dma_start3A_30 : memref<624x128xf32, #tpu.memory_space<hbm>>) target(%dma_start3A_28 : memref<624x128xf32, #tpu.memory_space<vmem_shared>>) target_semaphore(%run_scoped3A : memref<!tpu.dma_semaphore, #tpu.memory_space<semaphore_mem>>)
        %dma_wait3A = arith.constant 0 : i32
        %dma_wait3A_31 = tpu.memref_slice %arg12[%multiple_of3A, %dma_wait3A] : memref<10000x128xf32, #tpu.memory_space<vmem_shared>> -> memref<624x128xf32, #tpu.memory_space<vmem_shared>>
        %dma_wait3A_32 = arith.constant 0 : i32
        %dma_wait3A_33 = tpu.memref_slice %arg6[%multiple_of3A, %dma_wait3A_32] : memref<10000x128xf32, #tpu.memory_space<hbm>> -> memref<624x128xf32, #tpu.memory_space<hbm>>
        tpu.wait_dma2 semaphore(%run_scoped3A : memref<!tpu.dma_semaphore, #tpu.memory_space<semaphore_mem>>) src(%dma_wait3A_33 : memref<624x128xf32, #tpu.memory_space<hbm>>) dst(%dma_wait3A_31 : memref<624x128xf32, #tpu.memory_space<vmem_shared>>)
        tpu.yield
      }) : () -> ()
    } else {
    }
    %eq3A = arith.constant 15 : i32
    %eq3A_3 = arith.cmpi eq, %arg1, %eq3A : i32
    %convert_element_type3A_4 = arith.extui %eq3A_3 : i1 to i32
    %cond3A_5 = arith.constant 0 : i32
    %cond3A_6 = arith.cmpi ne, %convert_element_type3A_4, %cond3A_5 : i32
    scf.if %cond3A_6 {
      "tpu.region"() ({
        %run_scoped3A = tpu.sem_alloc : memref<!tpu.dma_semaphore, #tpu.memory_space<semaphore_mem>>
        %dma_start3A = arith.constant 9360 : i32
        %dma_start3A_28 = arith.constant 0 : i32
        %dma_start3A_29 = tpu.memref_slice %arg12[%dma_start3A, %dma_start3A_28] : memref<10000x128xf32, #tpu.memory_space<vmem_shared>> -> memref<640x128xf32, #tpu.memory_space<vmem_shared>>
        %dma_start3A_30 = arith.constant 9360 : i32
        %dma_start3A_31 = arith.constant 0 : i32
        %dma_start3A_32 = tpu.memref_slice %arg6[%dma_start3A_30, %dma_start3A_31] : memref<10000x128xf32, #tpu.memory_space<hbm>> -> memref<640x128xf32, #tpu.memory_space<hbm>>
        tpu.enqueue_dma source(%dma_start3A_32 : memref<640x128xf32, #tpu.memory_space<hbm>>) target(%dma_start3A_29 : memref<640x128xf32, #tpu.memory_space<vmem_shared>>) target_semaphore(%run_scoped3A : memref<!tpu.dma_semaphore, #tpu.memory_space<semaphore_mem>>)
        %dma_wait3A = arith.constant 9360 : i32
        %dma_wait3A_33 = arith.constant 0 : i32
        %dma_wait3A_34 = tpu.memref_slice %arg12[%dma_wait3A, %dma_wait3A_33] : memref<10000x128xf32, #tpu.memory_space<vmem_shared>> -> memref<640x128xf32, #tpu.memory_space<vmem_shared>>
        %dma_wait3A_35 = arith.constant 9360 : i32
        %dma_wait3A_36 = arith.constant 0 : i32
        %dma_wait3A_37 = tpu.memref_slice %arg6[%dma_wait3A_35, %dma_wait3A_36] : memref<10000x128xf32, #tpu.memory_space<hbm>> -> memref<640x128xf32, #tpu.memory_space<hbm>>
        tpu.wait_dma2 semaphore(%run_scoped3A : memref<!tpu.dma_semaphore, #tpu.memory_space<semaphore_mem>>) src(%dma_wait3A_37 : memref<640x128xf32, #tpu.memory_space<hbm>>) dst(%dma_wait3A_34 : memref<640x128xf32, #tpu.memory_space<vmem_shared>>)
        tpu.yield
      }) : () -> ()
    } else {
    }
    %barrier3A = arith.constant 0 : index
    tpu.barrier barrier_id(%barrier3A)
    "tpu.region"() ({
      %run_scoped3A = tpu.sem_alloc : memref<!tpu.dma_semaphore, #tpu.memory_space<semaphore_mem>>
      %dma_start3A = arith.constant 0 : i32
      %dma_start3A_28 = arith.constant 0 : i32
      %dma_start3A_29 = tpu.memref_slice %arg4[%arg1, %dma_start3A, %dma_start3A_28] : memref<16x125x80xi32, #tpu.memory_space<hbm>> -> memref<1x125x80xi32, #tpu.memory_space<hbm>>
      %dma_start3A_30 = tpu.memref_squeeze %dma_start3A_29 : memref<1x125x80xi32, #tpu.memory_space<hbm>> -> memref<125x80xi32, #tpu.memory_space<hbm>>
      %dma_start3A_31 = arith.constant 0 : i32
      %dma_start3A_32 = arith.constant 0 : i32
      %dma_start3A_33 = tpu.memref_slice %arg4[%arg1, %dma_start3A_31, %dma_start3A_32] : memref<16x125x80xi32, #tpu.memory_space<hbm>> -> memref<1x125x80xi32, #tpu.memory_space<hbm>>
      %dma_start3A_34 = tpu.memref_squeeze %dma_start3A_33 : memref<1x125x80xi32, #tpu.memory_space<hbm>> -> memref<125x80xi32, #tpu.memory_space<hbm>>
      tpu.enqueue_dma source(%dma_start3A_34 : memref<125x80xi32, #tpu.memory_space<hbm>>) target(%arg9 : memref<125x80xi32, #tpu.memory_space<vmem>>) target_semaphore(%run_scoped3A : memref<!tpu.dma_semaphore, #tpu.memory_space<semaphore_mem>>)
      %dma_wait3A = arith.constant 0 : i32
      %dma_wait3A_35 = arith.constant 0 : i32
      %dma_wait3A_36 = tpu.memref_slice %arg4[%arg1, %dma_wait3A, %dma_wait3A_35] : memref<16x125x80xi32, #tpu.memory_space<hbm>> -> memref<1x125x80xi32, #tpu.memory_space<hbm>>
      %dma_wait3A_37 = tpu.memref_squeeze %dma_wait3A_36 : memref<1x125x80xi32, #tpu.memory_space<hbm>> -> memref<125x80xi32, #tpu.memory_space<hbm>>
      %dma_wait3A_38 = arith.constant 0 : i32
      %dma_wait3A_39 = arith.constant 0 : i32
      %dma_wait3A_40 = tpu.memref_slice %arg4[%arg1, %dma_wait3A_38, %dma_wait3A_39] : memref<16x125x80xi32, #tpu.memory_space<hbm>> -> memref<1x125x80xi32, #tpu.memory_space<hbm>>
      %dma_wait3A_41 = tpu.memref_squeeze %dma_wait3A_40 : memref<1x125x80xi32, #tpu.memory_space<hbm>> -> memref<125x80xi32, #tpu.memory_space<hbm>>
      tpu.wait_dma2 semaphore(%run_scoped3A : memref<!tpu.dma_semaphore, #tpu.memory_space<semaphore_mem>>) src(%dma_wait3A_41 : memref<125x80xi32, #tpu.memory_space<hbm>>) dst(%arg9 : memref<125x80xi32, #tpu.memory_space<vmem>>)
      tpu.yield
    }) : () -> ()
    "tpu.region"() ({
      %run_scoped3A = tpu.sem_alloc : memref<!tpu.dma_semaphore, #tpu.memory_space<semaphore_mem>>
      %dma_start3A = arith.constant 0 : i32
      %dma_start3A_28 = arith.constant 0 : i32
      %dma_start3A_29 = tpu.memref_slice %arg5[%arg1, %dma_start3A, %dma_start3A_28] : memref<16x125x80xi32, #tpu.memory_space<hbm>> -> memref<1x125x80xi32, #tpu.memory_space<hbm>>
      %dma_start3A_30 = tpu.memref_squeeze %dma_start3A_29 : memref<1x125x80xi32, #tpu.memory_space<hbm>> -> memref<125x80xi32, #tpu.memory_space<hbm>>
      %dma_start3A_31 = arith.constant 0 : i32
      %dma_start3A_32 = arith.constant 0 : i32
      %dma_start3A_33 = tpu.memref_slice %arg5[%arg1, %dma_start3A_31, %dma_start3A_32] : memref<16x125x80xi32, #tpu.memory_space<hbm>> -> memref<1x125x80xi32, #tpu.memory_space<hbm>>
      %dma_start3A_34 = tpu.memref_squeeze %dma_start3A_33 : memref<1x125x80xi32, #tpu.memory_space<hbm>> -> memref<125x80xi32, #tpu.memory_space<hbm>>
      tpu.enqueue_dma source(%dma_start3A_34 : memref<125x80xi32, #tpu.memory_space<hbm>>) target(%arg10 : memref<125x80xi32, #tpu.memory_space<vmem>>) target_semaphore(%run_scoped3A : memref<!tpu.dma_semaphore, #tpu.memory_space<semaphore_mem>>)
      %dma_wait3A = arith.constant 0 : i32
      %dma_wait3A_35 = arith.constant 0 : i32
      %dma_wait3A_36 = tpu.memref_slice %arg5[%arg1, %dma_wait3A, %dma_wait3A_35] : memref<16x125x80xi32, #tpu.memory_space<hbm>> -> memref<1x125x80xi32, #tpu.memory_space<hbm>>
      %dma_wait3A_37 = tpu.memref_squeeze %dma_wait3A_36 : memref<1x125x80xi32, #tpu.memory_space<hbm>> -> memref<125x80xi32, #tpu.memory_space<hbm>>
      %dma_wait3A_38 = arith.constant 0 : i32
      %dma_wait3A_39 = arith.constant 0 : i32
      %dma_wait3A_40 = tpu.memref_slice %arg5[%arg1, %dma_wait3A_38, %dma_wait3A_39] : memref<16x125x80xi32, #tpu.memory_space<hbm>> -> memref<1x125x80xi32, #tpu.memory_space<hbm>>
      %dma_wait3A_41 = tpu.memref_squeeze %dma_wait3A_40 : memref<1x125x80xi32, #tpu.memory_space<hbm>> -> memref<125x80xi32, #tpu.memory_space<hbm>>
      tpu.wait_dma2 semaphore(%run_scoped3A : memref<!tpu.dma_semaphore, #tpu.memory_space<semaphore_mem>>) src(%dma_wait3A_41 : memref<125x80xi32, #tpu.memory_space<hbm>>) dst(%arg10 : memref<125x80xi32, #tpu.memory_space<vmem>>)
      tpu.yield
    }) : () -> ()
    %eq3A_7 = arith.constant 0 : i32
    %eq3A_8 = arith.cmpi eq, %arg0, %eq3A_7 : i32
    %convert_element_type3A_9 = arith.extui %eq3A_8 : i1 to i32
    %cond3A_10 = arith.constant 0 : i32
    %cond3A_11 = arith.cmpi ne, %convert_element_type3A_9, %cond3A_10 : i32
    scf.if %cond3A_11 {
      %scan3A = arith.constant 0 : i32
      %scan3A_28 = arith.constant 0 : i32
      %scan3A_29 = arith.constant 125 : i32
      %scan3A_30 = arith.addi %scan3A_28, %scan3A_29 : i32
      %scan3A_31 = arith.constant 1 : i32
      scf.for %scan3A_33 = %scan3A_28 to %scan3A_30 step %scan3A_31  : i32 {
        %dma_start3A = arith.constant 0 : i32
        %dma_start3A_34 = tpu.memref_slice %arg9[%scan3A_33, %dma_start3A] : memref<125x80xi32, #tpu.memory_space<vmem>> -> memref<1x80xi32, #tpu.memory_space<vmem>>
        %dma_start3A_35 = tpu.memref_squeeze %dma_start3A_34 : memref<1x80xi32, #tpu.memory_space<vmem>> -> memref<80xi32, #tpu.memory_space<vmem>>
        %dma_start3A_36 = arith.constant 0 : i32
        %dma_start3A_37 = arith.constant 0 : i32
        %dma_start3A_38 = tpu.memref_slice %arg2[%dma_start3A_36, %dma_start3A_37] : memref<10000x128xf32, #tpu.memory_space<hbm>> -> memref<10000x128xf32, #tpu.memory_space<hbm>>
        tpu.enqueue_indirect_dma source(%dma_start3A_38 : memref<10000x128xf32, #tpu.memory_space<hbm>>) target(%arg11 : memref<80x128xf32, #tpu.memory_space<vmem>>) offsets(%dma_start3A_35 : memref<80xi32, #tpu.memory_space<vmem>>) semaphore(%arg13 : memref<!tpu.dma_semaphore, #tpu.memory_space<semaphore_mem>>)
        %dma_wait3A = arith.constant 0 : i32
        %dma_wait3A_39 = tpu.memref_slice %arg9[%scan3A_33, %dma_wait3A] : memref<125x80xi32, #tpu.memory_space<vmem>> -> memref<1x80xi32, #tpu.memory_space<vmem>>
        %dma_wait3A_40 = tpu.memref_squeeze %dma_wait3A_39 : memref<1x80xi32, #tpu.memory_space<vmem>> -> memref<80xi32, #tpu.memory_space<vmem>>
        %dma_wait3A_41 = arith.constant 0 : i32
        %dma_wait3A_42 = arith.constant 0 : i32
        %dma_wait3A_43 = tpu.memref_slice %arg2[%dma_wait3A_41, %dma_wait3A_42] : memref<10000x128xf32, #tpu.memory_space<hbm>> -> memref<10000x128xf32, #tpu.memory_space<hbm>>
        tpu.wait_indirect_dma semaphore(%arg13 : memref<!tpu.dma_semaphore, #tpu.memory_space<semaphore_mem>>) src(%dma_wait3A_43 : memref<10000x128xf32, #tpu.memory_space<hbm>>) dst(%arg11 : memref<80x128xf32, #tpu.memory_space<vmem>>)
        "tpu.region"() ({
          %run_scoped3A = tpu.sem_alloc : memref<!tpu.dma_semaphore, #tpu.memory_space<semaphore_mem>>
          %dma_start3A_44 = arith.constant 0 : i32
          %dma_start3A_45 = tpu.memref_slice %arg10[%scan3A_33, %dma_start3A_44] : memref<125x80xi32, #tpu.memory_space<vmem>> -> memref<1x80xi32, #tpu.memory_space<vmem>>
          %dma_start3A_46 = tpu.memref_squeeze %dma_start3A_45 : memref<1x80xi32, #tpu.memory_space<vmem>> -> memref<80xi32, #tpu.memory_space<vmem>>
          %dma_start3A_47 = arith.constant 0 : i32
          %dma_start3A_48 = arith.constant 0 : i32
          %dma_start3A_49 = tpu.memref_slice %arg12[%dma_start3A_47, %dma_start3A_48] : memref<10000x128xf32, #tpu.memory_space<vmem_shared>> -> memref<10000x128xf32, #tpu.memory_space<vmem_shared>>
          tpu.enqueue_indirect_dma source(%arg11 : memref<80x128xf32, #tpu.memory_space<vmem>>) target(%dma_start3A_49 : memref<10000x128xf32, #tpu.memory_space<vmem_shared>>) offsets(%dma_start3A_46 : memref<80xi32, #tpu.memory_space<vmem>>) semaphore(%run_scoped3A : memref<!tpu.dma_semaphore, #tpu.memory_space<semaphore_mem>>) {add = true}
          %dma_wait3A_50 = arith.constant 0 : i32
          %dma_wait3A_51 = tpu.memref_slice %arg10[%scan3A_33, %dma_wait3A_50] : memref<125x80xi32, #tpu.memory_space<vmem>> -> memref<1x80xi32, #tpu.memory_space<vmem>>
          %dma_wait3A_52 = tpu.memref_squeeze %dma_wait3A_51 : memref<1x80xi32, #tpu.memory_space<vmem>> -> memref<80xi32, #tpu.memory_space<vmem>>
          %dma_wait3A_53 = arith.constant 0 : i32
          %dma_wait3A_54 = arith.constant 0 : i32
          %dma_wait3A_55 = tpu.memref_slice %arg12[%dma_wait3A_53, %dma_wait3A_54] : memref<10000x128xf32, #tpu.memory_space<vmem_shared>> -> memref<10000x128xf32, #tpu.memory_space<vmem_shared>>
          tpu.wait_indirect_dma semaphore(%run_scoped3A : memref<!tpu.dma_semaphore, #tpu.memory_space<semaphore_mem>>) src(%arg11 : memref<80x128xf32, #tpu.memory_space<vmem>>) dst(%dma_wait3A_55 : memref<10000x128xf32, #tpu.memory_space<vmem_shared>>)
          tpu.yield
        }) : () -> ()
      }
      %scan3A_32 = arith.constant 125 : i32
    } else {
    }
    %eq3A_12 = arith.constant 1 : i32
    %eq3A_13 = arith.cmpi eq, %arg0, %eq3A_12 : i32
    %convert_element_type3A_14 = arith.extui %eq3A_13 : i1 to i32
    %cond3A_15 = arith.constant 0 : i32
    %cond3A_16 = arith.cmpi ne, %convert_element_type3A_14, %cond3A_15 : i32
    scf.if %cond3A_16 {
      %scan3A = arith.constant 0 : i32
      %scan3A_28 = arith.constant 0 : i32
      %scan3A_29 = arith.constant 125 : i32
      %scan3A_30 = arith.addi %scan3A_28, %scan3A_29 : i32
      %scan3A_31 = arith.constant 1 : i32
      scf.for %scan3A_33 = %scan3A_28 to %scan3A_30 step %scan3A_31  : i32 {
        %dma_start3A = arith.constant 0 : i32
        %dma_start3A_34 = tpu.memref_slice %arg9[%scan3A_33, %dma_start3A] : memref<125x80xi32, #tpu.memory_space<vmem>> -> memref<1x80xi32, #tpu.memory_space<vmem>>
        %dma_start3A_35 = tpu.memref_squeeze %dma_start3A_34 : memref<1x80xi32, #tpu.memory_space<vmem>> -> memref<80xi32, #tpu.memory_space<vmem>>
        %dma_start3A_36 = arith.constant 0 : i32
        %dma_start3A_37 = arith.constant 0 : i32
        %dma_start3A_38 = tpu.memref_slice %arg3[%dma_start3A_36, %dma_start3A_37] : memref<10000x128xf32, #tpu.memory_space<hbm>> -> memref<10000x128xf32, #tpu.memory_space<hbm>>
        tpu.enqueue_indirect_dma source(%dma_start3A_38 : memref<10000x128xf32, #tpu.memory_space<hbm>>) target(%arg11 : memref<80x128xf32, #tpu.memory_space<vmem>>) offsets(%dma_start3A_35 : memref<80xi32, #tpu.memory_space<vmem>>) semaphore(%arg13 : memref<!tpu.dma_semaphore, #tpu.memory_space<semaphore_mem>>)
        %dma_wait3A = arith.constant 0 : i32
        %dma_wait3A_39 = tpu.memref_slice %arg9[%scan3A_33, %dma_wait3A] : memref<125x80xi32, #tpu.memory_space<vmem>> -> memref<1x80xi32, #tpu.memory_space<vmem>>
        %dma_wait3A_40 = tpu.memref_squeeze %dma_wait3A_39 : memref<1x80xi32, #tpu.memory_space<vmem>> -> memref<80xi32, #tpu.memory_space<vmem>>
        %dma_wait3A_41 = arith.constant 0 : i32
        %dma_wait3A_42 = arith.constant 0 : i32
        %dma_wait3A_43 = tpu.memref_slice %arg3[%dma_wait3A_41, %dma_wait3A_42] : memref<10000x128xf32, #tpu.memory_space<hbm>> -> memref<10000x128xf32, #tpu.memory_space<hbm>>
        tpu.wait_indirect_dma semaphore(%arg13 : memref<!tpu.dma_semaphore, #tpu.memory_space<semaphore_mem>>) src(%dma_wait3A_43 : memref<10000x128xf32, #tpu.memory_space<hbm>>) dst(%arg11 : memref<80x128xf32, #tpu.memory_space<vmem>>)
        "tpu.region"() ({
          %run_scoped3A = tpu.sem_alloc : memref<!tpu.dma_semaphore, #tpu.memory_space<semaphore_mem>>
          %dma_start3A_44 = arith.constant 0 : i32
          %dma_start3A_45 = tpu.memref_slice %arg10[%scan3A_33, %dma_start3A_44] : memref<125x80xi32, #tpu.memory_space<vmem>> -> memref<1x80xi32, #tpu.memory_space<vmem>>
          %dma_start3A_46 = tpu.memref_squeeze %dma_start3A_45 : memref<1x80xi32, #tpu.memory_space<vmem>> -> memref<80xi32, #tpu.memory_space<vmem>>
          %dma_start3A_47 = arith.constant 0 : i32
          %dma_start3A_48 = arith.constant 0 : i32
          %dma_start3A_49 = tpu.memref_slice %arg12[%dma_start3A_47, %dma_start3A_48] : memref<10000x128xf32, #tpu.memory_space<vmem_shared>> -> memref<10000x128xf32, #tpu.memory_space<vmem_shared>>
          tpu.enqueue_indirect_dma source(%arg11 : memref<80x128xf32, #tpu.memory_space<vmem>>) target(%dma_start3A_49 : memref<10000x128xf32, #tpu.memory_space<vmem_shared>>) offsets(%dma_start3A_46 : memref<80xi32, #tpu.memory_space<vmem>>) semaphore(%run_scoped3A : memref<!tpu.dma_semaphore, #tpu.memory_space<semaphore_mem>>) {add = true}
          %dma_wait3A_50 = arith.constant 0 : i32
          %dma_wait3A_51 = tpu.memref_slice %arg10[%scan3A_33, %dma_wait3A_50] : memref<125x80xi32, #tpu.memory_space<vmem>> -> memref<1x80xi32, #tpu.memory_space<vmem>>
          %dma_wait3A_52 = tpu.memref_squeeze %dma_wait3A_51 : memref<1x80xi32, #tpu.memory_space<vmem>> -> memref<80xi32, #tpu.memory_space<vmem>>
          %dma_wait3A_53 = arith.constant 0 : i32
          %dma_wait3A_54 = arith.constant 0 : i32
          %dma_wait3A_55 = tpu.memref_slice %arg12[%dma_wait3A_53, %dma_wait3A_54] : memref<10000x128xf32, #tpu.memory_space<vmem_shared>> -> memref<10000x128xf32, #tpu.memory_space<vmem_shared>>
          tpu.wait_indirect_dma semaphore(%run_scoped3A : memref<!tpu.dma_semaphore, #tpu.memory_space<semaphore_mem>>) src(%arg11 : memref<80x128xf32, #tpu.memory_space<vmem>>) dst(%dma_wait3A_55 : memref<10000x128xf32, #tpu.memory_space<vmem_shared>>)
          tpu.yield
        }) : () -> ()
      }
      %scan3A_32 = arith.constant 125 : i32
    } else {
    }
    %barrier3A_17 = arith.constant 0 : index
    tpu.barrier barrier_id(%barrier3A_17)
    %eq3A_18 = arith.constant 0 : i32
    %eq3A_19 = arith.cmpi eq, %arg0, %eq3A_18 : i32
    %convert_element_type3A_20 = arith.extui %eq3A_19 : i1 to i32
    %cond3A_21 = arith.constant 0 : i32
    %cond3A_22 = arith.cmpi ne, %convert_element_type3A_20, %cond3A_21 : i32
    scf.if %cond3A_22 {
      %lt3A_28 = arith.constant 15 : i32
      %lt3A_29 = arith.cmpi slt, %arg1, %lt3A_28 : i32
      %convert_element_type3A_30 = arith.extui %lt3A_29 : i1 to i32
      %cond3A_31 = arith.constant 0 : i32
      %cond3A_32 = arith.cmpi ne, %convert_element_type3A_30, %cond3A_31 : i32
      scf.if %cond3A_32 {
        "tpu.region"() ({
          %run_scoped3A = tpu.sem_alloc : memref<!tpu.dma_semaphore, #tpu.memory_space<semaphore_mem>>
          %dma_start3A = arith.constant 0 : i32
          %dma_start3A_38 = tpu.memref_slice %arg7[%multiple_of3A, %dma_start3A] : memref<10000x128xf32, #tpu.memory_space<hbm>> -> memref<624x128xf32, #tpu.memory_space<hbm>>
          %dma_start3A_39 = arith.constant 0 : i32
          %dma_start3A_40 = tpu.memref_slice %arg12[%multiple_of3A, %dma_start3A_39] : memref<10000x128xf32, #tpu.memory_space<vmem_shared>> -> memref<624x128xf32, #tpu.memory_space<vmem_shared>>
          tpu.enqueue_dma source(%dma_start3A_40 : memref<624x128xf32, #tpu.memory_space<vmem_shared>>) target(%dma_start3A_38 : memref<624x128xf32, #tpu.memory_space<hbm>>) target_semaphore(%run_scoped3A : memref<!tpu.dma_semaphore, #tpu.memory_space<semaphore_mem>>)
          %dma_wait3A = arith.constant 0 : i32
          %dma_wait3A_41 = tpu.memref_slice %arg7[%multiple_of3A, %dma_wait3A] : memref<10000x128xf32, #tpu.memory_space<hbm>> -> memref<624x128xf32, #tpu.memory_space<hbm>>
          %dma_wait3A_42 = arith.constant 0 : i32
          %dma_wait3A_43 = tpu.memref_slice %arg12[%multiple_of3A, %dma_wait3A_42] : memref<10000x128xf32, #tpu.memory_space<vmem_shared>> -> memref<624x128xf32, #tpu.memory_space<vmem_shared>>
          tpu.wait_dma2 semaphore(%run_scoped3A : memref<!tpu.dma_semaphore, #tpu.memory_space<semaphore_mem>>) src(%dma_wait3A_43 : memref<624x128xf32, #tpu.memory_space<vmem_shared>>) dst(%dma_wait3A_41 : memref<624x128xf32, #tpu.memory_space<hbm>>)
          tpu.yield
        }) : () -> ()
      } else {
      }
      %eq3A_33 = arith.constant 15 : i32
      %eq3A_34 = arith.cmpi eq, %arg1, %eq3A_33 : i32
      %convert_element_type3A_35 = arith.extui %eq3A_34 : i1 to i32
      %cond3A_36 = arith.constant 0 : i32
      %cond3A_37 = arith.cmpi ne, %convert_element_type3A_35, %cond3A_36 : i32
      scf.if %cond3A_37 {
        "tpu.region"() ({
          %run_scoped3A = tpu.sem_alloc : memref<!tpu.dma_semaphore, #tpu.memory_space<semaphore_mem>>
          %dma_start3A = arith.constant 9360 : i32
          %dma_start3A_38 = arith.constant 0 : i32
          %dma_start3A_39 = tpu.memref_slice %arg7[%dma_start3A, %dma_start3A_38] : memref<10000x128xf32, #tpu.memory_space<hbm>> -> memref<640x128xf32, #tpu.memory_space<hbm>>
          %dma_start3A_40 = arith.constant 9360 : i32
          %dma_start3A_41 = arith.constant 0 : i32
          %dma_start3A_42 = tpu.memref_slice %arg12[%dma_start3A_40, %dma_start3A_41] : memref<10000x128xf32, #tpu.memory_space<vmem_shared>> -> memref<640x128xf32, #tpu.memory_space<vmem_shared>>
          tpu.enqueue_dma source(%dma_start3A_42 : memref<640x128xf32, #tpu.memory_space<vmem_shared>>) target(%dma_start3A_39 : memref<640x128xf32, #tpu.memory_space<hbm>>) target_semaphore(%run_scoped3A : memref<!tpu.dma_semaphore, #tpu.memory_space<semaphore_mem>>)
          %dma_wait3A = arith.constant 9360 : i32
          %dma_wait3A_43 = arith.constant 0 : i32
          %dma_wait3A_44 = tpu.memref_slice %arg7[%dma_wait3A, %dma_wait3A_43] : memref<10000x128xf32, #tpu.memory_space<hbm>> -> memref<640x128xf32, #tpu.memory_space<hbm>>
          %dma_wait3A_45 = arith.constant 9360 : i32
          %dma_wait3A_46 = arith.constant 0 : i32
          %dma_wait3A_47 = tpu.memref_slice %arg12[%dma_wait3A_45, %dma_wait3A_46] : memref<10000x128xf32, #tpu.memory_space<vmem_shared>> -> memref<640x128xf32, #tpu.memory_space<vmem_shared>>
          tpu.wait_dma2 semaphore(%run_scoped3A : memref<!tpu.dma_semaphore, #tpu.memory_space<semaphore_mem>>) src(%dma_wait3A_47 : memref<640x128xf32, #tpu.memory_space<vmem_shared>>) dst(%dma_wait3A_44 : memref<640x128xf32, #tpu.memory_space<hbm>>)
          tpu.yield
        }) : () -> ()
      } else {
      }
    } else {
    }
    %eq3A_23 = arith.constant 1 : i32
    %eq3A_24 = arith.cmpi eq, %arg0, %eq3A_23 : i32
    %convert_element_type3A_25 = arith.extui %eq3A_24 : i1 to i32
    %cond3A_26 = arith.constant 0 : i32
    %cond3A_27 = arith.cmpi ne, %convert_element_type3A_25, %cond3A_26 : i32
    scf.if %cond3A_27 {
      %lt3A_28 = arith.constant 15 : i32
      %lt3A_29 = arith.cmpi slt, %arg1, %lt3A_28 : i32
      %convert_element_type3A_30 = arith.extui %lt3A_29 : i1 to i32
      %cond3A_31 = arith.constant 0 : i32
      %cond3A_32 = arith.cmpi ne, %convert_element_type3A_30, %cond3A_31 : i32
      scf.if %cond3A_32 {
        "tpu.region"() ({
          %run_scoped3A = tpu.sem_alloc : memref<!tpu.dma_semaphore, #tpu.memory_space<semaphore_mem>>
          %dma_start3A = arith.constant 0 : i32
          %dma_start3A_38 = tpu.memref_slice %arg8[%multiple_of3A, %dma_start3A] : memref<10000x128xf32, #tpu.memory_space<hbm>> -> memref<624x128xf32, #tpu.memory_space<hbm>>
          %dma_start3A_39 = arith.constant 0 : i32
          %dma_start3A_40 = tpu.memref_slice %arg12[%multiple_of3A, %dma_start3A_39] : memref<10000x128xf32, #tpu.memory_space<vmem_shared>> -> memref<624x128xf32, #tpu.memory_space<vmem_shared>>
          tpu.enqueue_dma source(%dma_start3A_40 : memref<624x128xf32, #tpu.memory_space<vmem_shared>>) target(%dma_start3A_38 : memref<624x128xf32, #tpu.memory_space<hbm>>) target_semaphore(%run_scoped3A : memref<!tpu.dma_semaphore, #tpu.memory_space<semaphore_mem>>)
          %dma_wait3A = arith.constant 0 : i32
          %dma_wait3A_41 = tpu.memref_slice %arg8[%multiple_of3A, %dma_wait3A] : memref<10000x128xf32, #tpu.memory_space<hbm>> -> memref<624x128xf32, #tpu.memory_space<hbm>>
          %dma_wait3A_42 = arith.constant 0 : i32
          %dma_wait3A_43 = tpu.memref_slice %arg12[%multiple_of3A, %dma_wait3A_42] : memref<10000x128xf32, #tpu.memory_space<vmem_shared>> -> memref<624x128xf32, #tpu.memory_space<vmem_shared>>
          tpu.wait_dma2 semaphore(%run_scoped3A : memref<!tpu.dma_semaphore, #tpu.memory_space<semaphore_mem>>) src(%dma_wait3A_43 : memref<624x128xf32, #tpu.memory_space<vmem_shared>>) dst(%dma_wait3A_41 : memref<624x128xf32, #tpu.memory_space<hbm>>)
          tpu.yield
        }) : () -> ()
      } else {
      }
      %eq3A_33 = arith.constant 15 : i32
      %eq3A_34 = arith.cmpi eq, %arg1, %eq3A_33 : i32
      %convert_element_type3A_35 = arith.extui %eq3A_34 : i1 to i32
      %cond3A_36 = arith.constant 0 : i32
      %cond3A_37 = arith.cmpi ne, %convert_element_type3A_35, %cond3A_36 : i32
      scf.if %cond3A_37 {
        "tpu.region"() ({
          %run_scoped3A = tpu.sem_alloc : memref<!tpu.dma_semaphore, #tpu.memory_space<semaphore_mem>>
          %dma_start3A = arith.constant 9360 : i32
          %dma_start3A_38 = arith.constant 0 : i32
          %dma_start3A_39 = tpu.memref_slice %arg8[%dma_start3A, %dma_start3A_38] : memref<10000x128xf32, #tpu.memory_space<hbm>> -> memref<640x128xf32, #tpu.memory_space<hbm>>
          %dma_start3A_40 = arith.constant 9360 : i32
          %dma_start3A_41 = arith.constant 0 : i32
          %dma_start3A_42 = tpu.memref_slice %arg12[%dma_start3A_40, %dma_start3A_41] : memref<10000x128xf32, #tpu.memory_space<vmem_shared>> -> memref<640x128xf32, #tpu.memory_space<vmem_shared>>
          tpu.enqueue_dma source(%dma_start3A_42 : memref<640x128xf32, #tpu.memory_space<vmem_shared>>) target(%dma_start3A_39 : memref<640x128xf32, #tpu.memory_space<hbm>>) target_semaphore(%run_scoped3A : memref<!tpu.dma_semaphore, #tpu.memory_space<semaphore_mem>>)
          %dma_wait3A = arith.constant 9360 : i32
          %dma_wait3A_43 = arith.constant 0 : i32
          %dma_wait3A_44 = tpu.memref_slice %arg8[%dma_wait3A, %dma_wait3A_43] : memref<10000x128xf32, #tpu.memory_space<hbm>> -> memref<640x128xf32, #tpu.memory_space<hbm>>
          %dma_wait3A_45 = arith.constant 9360 : i32
          %dma_wait3A_46 = arith.constant 0 : i32
          %dma_wait3A_47 = tpu.memref_slice %arg12[%dma_wait3A_45, %dma_wait3A_46] : memref<10000x128xf32, #tpu.memory_space<vmem_shared>> -> memref<640x128xf32, #tpu.memory_space<vmem_shared>>
          tpu.wait_dma2 semaphore(%run_scoped3A : memref<!tpu.dma_semaphore, #tpu.memory_space<semaphore_mem>>) src(%dma_wait3A_47 : memref<640x128xf32, #tpu.memory_space<vmem_shared>>) dst(%dma_wait3A_44 : memref<640x128xf32, #tpu.memory_space<hbm>>)
          tpu.yield
        }) : () -> ()
      } else {
      }
    } else {
    }
    return
  }
}

module attributes {stable_mosaic.version = 14 : i64} {
  func.func @_embed_body(%arg0: i32, %arg1: memref<1000x2xi32, #tpu.memory_space<vmem>>, %arg2: memref<120x256xf32, #tpu.memory_space<vmem>>, %arg3: memref<3x256xf32, #tpu.memory_space<vmem>>, %arg4: memref<1000x128xf32, #tpu.memory_space<vmem>>, %arg5: memref<1000x128xf32, #tpu.memory_space<vmem>>) attributes {dimension_semantics = [#tpu.dimension_semantics<arbitrary>], iteration_bounds = array<i64: 10>, scalar_prefetch = 0 : i64, scratch_operands = 0 : i64, tpu.core_type = #tpu.core_type<tc>, window_params = [{transform_indices = @transform_0, window_bounds = array<i64: 1000, 2>}, {pipeline_mode = #tpu.pipeline_mode<synchronous>, transform_indices = @transform_1, window_bounds = array<i64: 120, 256>}, {pipeline_mode = #tpu.pipeline_mode<synchronous>, transform_indices = @transform_2, window_bounds = array<i64: 3, 256>}, {transform_indices = @transform_3, window_bounds = array<i64: 1000, 128>}, {transform_indices = @transform_4, window_bounds = array<i64: 1000, 128>}]} {
    %get3A = arith.constant 0 : index
    %get3A_0 = arith.constant 0 : index
    %get3A_1 = vector.load %arg1[%get3A, %get3A_0] : memref<1000x2xi32, #tpu.memory_space<vmem>>, vector<1000x2xi32>
    %slice3A = vector.extract_strided_slice %get3A_1 {offsets = [0, 0], sizes = [1000, 1], strides = [1, 1]} : vector<1000x2xi32> to vector<1000x1xi32>
    %slice3A_2 = vector.extract_strided_slice %get3A_1 {offsets = [0, 1], sizes = [1000, 1], strides = [1, 1]} : vector<1000x2xi32> to vector<1000x1xi32>
    %iota3A = tpu.iota {dimensions = array<i32: 1>} : vector<1000x120xi32>
    %eq3A = vector.broadcast %slice3A : vector<1000x1xi32> to vector<1000x120xi32>
    %eq3A_3 = arith.cmpi eq, %eq3A, %iota3A : vector<1000x120xi32>
    %convert_element_type3A = arith.extui %eq3A_3 : vector<1000x120xi1> to vector<1000x120xi32>
    %convert_element_type3A_4 = arith.sitofp %convert_element_type3A : vector<1000x120xi32> to vector<1000x120xf32>
    %iota3A_5 = tpu.iota {dimensions = array<i32: 1>} : vector<1000x3xi32>
    %eq3A_6 = vector.broadcast %slice3A_2 : vector<1000x1xi32> to vector<1000x3xi32>
    %eq3A_7 = arith.cmpi eq, %eq3A_6, %iota3A_5 : vector<1000x3xi32>
    %convert_element_type3A_8 = arith.extui %eq3A_7 : vector<1000x3xi1> to vector<1000x3xi32>
    %convert_element_type3A_9 = arith.sitofp %convert_element_type3A_8 : vector<1000x3xi32> to vector<1000x3xf32>
    %get3A_10 = arith.constant 0 : index
    %get3A_11 = arith.constant 0 : index
    %get3A_12 = vector.load %arg2[%get3A_10, %get3A_11] : memref<120x256xf32, #tpu.memory_space<vmem>>, vector<120x256xf32>
    %dot_general3A = arith.constant dense<0.000000e+00> : vector<1000x256xf32>
    %dot_general3A_13 = tpu.matmul %convert_element_type3A_4, %get3A_12, %dot_general3A {dimension_numbers = #tpu.dot_dimension_numbers<[1], [0], [0], [1], [0, 0, 1, 1], [], []>, transpose_lhs_hint = false} : vector<1000x120xf32>, vector<120x256xf32>, vector<1000x256xf32> -> vector<1000x256xf32>
    %get3A_14 = arith.constant 0 : index
    %get3A_15 = arith.constant 0 : index
    %get3A_16 = vector.load %arg3[%get3A_14, %get3A_15] : memref<3x256xf32, #tpu.memory_space<vmem>>, vector<3x256xf32>
    %dot_general3A_17 = arith.constant dense<0.000000e+00> : vector<1000x256xf32>
    %dot_general3A_18 = tpu.matmul %convert_element_type3A_9, %get3A_16, %dot_general3A_17 {dimension_numbers = #tpu.dot_dimension_numbers<[1], [0], [0], [1], [0, 0, 1, 1], [], []>, transpose_lhs_hint = false} : vector<1000x3xf32>, vector<3x256xf32>, vector<1000x256xf32> -> vector<1000x256xf32>
    %add3A = arith.addf %dot_general3A_13, %dot_general3A_18 : vector<1000x256xf32>
    %slice3A_19 = vector.extract_strided_slice %add3A {offsets = [0, 0], sizes = [1000, 128], strides = [1, 1]} : vector<1000x256xf32> to vector<1000x128xf32>
    %swap3A = arith.constant 0 : index
    %swap3A_20 = arith.constant 0 : index
    %swap3A_21 = vector.load %arg4[%swap3A, %swap3A_20] : memref<1000x128xf32, #tpu.memory_space<vmem>>, vector<1000x128xf32>
    tpu.vector_store %arg4[%swap3A, %swap3A_20], %slice3A_19 {strides = array<i32>} : memref<1000x128xf32, #tpu.memory_space<vmem>>, vector<1000x128xf32>,
    %slice3A_22 = vector.extract_strided_slice %add3A {offsets = [0, 128], sizes = [1000, 128], strides = [1, 1]} : vector<1000x256xf32> to vector<1000x128xf32>
    %swap3A_23 = arith.constant 0 : index
    %swap3A_24 = arith.constant 0 : index
    %swap3A_25 = vector.load %arg5[%swap3A_23, %swap3A_24] : memref<1000x128xf32, #tpu.memory_space<vmem>>, vector<1000x128xf32>
    tpu.vector_store %arg5[%swap3A_23, %swap3A_24], %slice3A_22 {strides = array<i32>} : memref<1000x128xf32, #tpu.memory_space<vmem>>, vector<1000x128xf32>,
    return
  }
  func.func @transform_0(%arg0: i32) -> (i32, i32) {
    %c0_i32 = arith.constant 0 : i32
    %c0_i32_0 = arith.constant 0 : i32
    return %arg0, %c0_i32 : i32, i32
  }
  func.func @transform_1(%arg0: i32) -> (i32, i32) {
    %c0_i32 = arith.constant 0 : i32
    %c0_i32_0 = arith.constant 0 : i32
    %c0_i32_1 = arith.constant 0 : i32
    return %c0_i32, %c0_i32_0 : i32, i32
  }
  func.func @transform_2(%arg0: i32) -> (i32, i32) {
    %c0_i32 = arith.constant 0 : i32
    %c0_i32_0 = arith.constant 0 : i32
    %c0_i32_1 = arith.constant 0 : i32
    return %c0_i32, %c0_i32_0 : i32, i32
  }
  func.func @transform_3(%arg0: i32) -> (i32, i32) {
    %c0_i32 = arith.constant 0 : i32
    %c0_i32_0 = arith.constant 0 : i32
    return %arg0, %c0_i32 : i32, i32
  }
  func.func @transform_4(%arg0: i32) -> (i32, i32) {
    %c0_i32 = arith.constant 0 : i32
    %c0_i32_0 = arith.constant 0 : i32
    return %arg0, %c0_i32 : i32, i32
  }
}

module attributes {stable_mosaic.version = 14 : i64} {
  func.func @_mlp_body(%arg0: i32, %arg1: memref<1000x128xf32, #tpu.memory_space<vmem>>, %arg2: memref<1000x128xf32, #tpu.memory_space<vmem>>, %arg3: memref<1000x128xf32, #tpu.memory_space<vmem>>, %arg4: memref<1000x128xf32, #tpu.memory_space<vmem>>, %arg5: memref<256x512xf32, #tpu.memory_space<vmem>>, %arg6: memref<1x512xf32, #tpu.memory_space<vmem>>, %arg7: memref<512x256xf32, #tpu.memory_space<vmem>>, %arg8: memref<1x256xf32, #tpu.memory_space<vmem>>, %arg9: memref<1000x128xf32, #tpu.memory_space<vmem>>, %arg10: memref<1000x128xf32, #tpu.memory_space<vmem>>) attributes {dimension_semantics = [#tpu.dimension_semantics<arbitrary>], iteration_bounds = array<i64: 10>, scalar_prefetch = 0 : i64, scratch_operands = 0 : i64, tpu.core_type = #tpu.core_type<tc>, window_params = [{transform_indices = @transform_0, window_bounds = array<i64: 1000, 128>}, {transform_indices = @transform_1, window_bounds = array<i64: 1000, 128>}, {transform_indices = @transform_2, window_bounds = array<i64: 1000, 128>}, {transform_indices = @transform_3, window_bounds = array<i64: 1000, 128>}, {pipeline_mode = #tpu.pipeline_mode<synchronous>, transform_indices = @transform_4, window_bounds = array<i64: 256, 512>}, {pipeline_mode = #tpu.pipeline_mode<synchronous>, transform_indices = @transform_5, window_bounds = array<i64: 1, 512>}, {pipeline_mode = #tpu.pipeline_mode<synchronous>, transform_indices = @transform_6, window_bounds = array<i64: 512, 256>}, {pipeline_mode = #tpu.pipeline_mode<synchronous>, transform_indices = @transform_7, window_bounds = array<i64: 1, 256>}, {transform_indices = @transform_8, window_bounds = array<i64: 1000, 128>}, {transform_indices = @transform_9, window_bounds = array<i64: 1000, 128>}]} {
    %get3A = arith.constant 0 : index
    %get3A_0 = arith.constant 0 : index
    %get3A_1 = vector.load %arg1[%get3A, %get3A_0] : memref<1000x128xf32, #tpu.memory_space<vmem>>, vector<1000x128xf32>
    %get3A_2 = arith.constant 0 : index
    %get3A_3 = arith.constant 0 : index
    %get3A_4 = vector.load %arg3[%get3A_2, %get3A_3] : memref<1000x128xf32, #tpu.memory_space<vmem>>, vector<1000x128xf32>
    %add3A = arith.addf %get3A_1, %get3A_4 : vector<1000x128xf32>
    %get3A_5 = arith.constant 0 : index
    %get3A_6 = arith.constant 0 : index
    %get3A_7 = vector.load %arg2[%get3A_5, %get3A_6] : memref<1000x128xf32, #tpu.memory_space<vmem>>, vector<1000x128xf32>
    %get3A_8 = arith.constant 0 : index
    %get3A_9 = arith.constant 0 : index
    %get3A_10 = vector.load %arg4[%get3A_8, %get3A_9] : memref<1000x128xf32, #tpu.memory_space<vmem>>, vector<1000x128xf32>
    %add3A_11 = arith.addf %get3A_7, %get3A_10 : vector<1000x128xf32>
    %concatenate3A = tpu.concatenate %add3A, %add3A_11 in 1 : vector<1000x128xf32>, vector<1000x128xf32> -> vector<1000x256xf32>
    %get3A_12 = arith.constant 0 : index
    %get3A_13 = arith.constant 0 : index
    %get3A_14 = vector.load %arg5[%get3A_12, %get3A_13] : memref<256x512xf32, #tpu.memory_space<vmem>>, vector<256x512xf32>
    %dot_general3A = arith.constant dense<0.000000e+00> : vector<1000x512xf32>
    %dot_general3A_15 = tpu.matmul %concatenate3A, %get3A_14, %dot_general3A {dimension_numbers = #tpu.dot_dimension_numbers<[1], [0], [0], [1], [0, 0, 1, 1], [], []>, transpose_lhs_hint = false} : vector<1000x256xf32>, vector<256x512xf32>, vector<1000x512xf32> -> vector<1000x512xf32>
    %get3A_16 = arith.constant 0 : index
    %get3A_17 = arith.constant 0 : index
    %get3A_18 = vector.load %arg6[%get3A_16, %get3A_17] : memref<1x512xf32, #tpu.memory_space<vmem>>, vector<1x512xf32>
    %add3A_19 = vector.broadcast %get3A_18 : vector<1x512xf32> to vector<1000x512xf32>
    %add3A_20 = arith.addf %dot_general3A_15, %add3A_19 : vector<1000x512xf32>
    %max3A = arith.constant 0.000000e+00 : f32
    %max3A_21 = vector.broadcast %max3A : f32 to vector<1000x512xf32>
    %max3A_22 = arith.maximumf %add3A_20, %max3A_21 : vector<1000x512xf32>
    %get3A_23 = arith.constant 0 : index
    %get3A_24 = arith.constant 0 : index
    %get3A_25 = vector.load %arg7[%get3A_23, %get3A_24] : memref<512x256xf32, #tpu.memory_space<vmem>>, vector<512x256xf32>
    %dot_general3A_26 = arith.constant dense<0.000000e+00> : vector<1000x256xf32>
    %dot_general3A_27 = tpu.matmul %max3A_22, %get3A_25, %dot_general3A_26 {dimension_numbers = #tpu.dot_dimension_numbers<[1], [0], [0], [1], [0, 0, 1, 1], [], []>, transpose_lhs_hint = false} : vector<1000x512xf32>, vector<512x256xf32>, vector<1000x256xf32> -> vector<1000x256xf32>
    %get3A_28 = arith.constant 0 : index
    %get3A_29 = arith.constant 0 : index
    %get3A_30 = vector.load %arg8[%get3A_28, %get3A_29] : memref<1x256xf32, #tpu.memory_space<vmem>>, vector<1x256xf32>
    %add3A_31 = vector.broadcast %get3A_30 : vector<1x256xf32> to vector<1000x256xf32>
    %add3A_32 = arith.addf %dot_general3A_27, %add3A_31 : vector<1000x256xf32>
    %max3A_33 = arith.constant 0.000000e+00 : f32
    %max3A_34 = vector.broadcast %max3A_33 : f32 to vector<1000x256xf32>
    %max3A_35 = arith.maximumf %add3A_32, %max3A_34 : vector<1000x256xf32>
    %slice3A = vector.extract_strided_slice %max3A_35 {offsets = [0, 0], sizes = [1000, 128], strides = [1, 1]} : vector<1000x256xf32> to vector<1000x128xf32>
    %swap3A = arith.constant 0 : index
    %swap3A_36 = arith.constant 0 : index
    %swap3A_37 = vector.load %arg9[%swap3A, %swap3A_36] : memref<1000x128xf32, #tpu.memory_space<vmem>>, vector<1000x128xf32>
    tpu.vector_store %arg9[%swap3A, %swap3A_36], %slice3A {strides = array<i32>} : memref<1000x128xf32, #tpu.memory_space<vmem>>, vector<1000x128xf32>,
    %slice3A_38 = vector.extract_strided_slice %max3A_35 {offsets = [0, 128], sizes = [1000, 128], strides = [1, 1]} : vector<1000x256xf32> to vector<1000x128xf32>
    %swap3A_39 = arith.constant 0 : index
    %swap3A_40 = arith.constant 0 : index
    %swap3A_41 = vector.load %arg10[%swap3A_39, %swap3A_40] : memref<1000x128xf32, #tpu.memory_space<vmem>>, vector<1000x128xf32>
    tpu.vector_store %arg10[%swap3A_39, %swap3A_40], %slice3A_38 {strides = array<i32>} : memref<1000x128xf32, #tpu.memory_space<vmem>>, vector<1000x128xf32>,
    return
  }
  func.func @transform_0(%arg0: i32) -> (i32, i32) {
    %c0_i32 = arith.constant 0 : i32
    %c0_i32_0 = arith.constant 0 : i32
    return %arg0, %c0_i32 : i32, i32
  }
  func.func @transform_1(%arg0: i32) -> (i32, i32) {
    %c0_i32 = arith.constant 0 : i32
    %c0_i32_0 = arith.constant 0 : i32
    return %arg0, %c0_i32 : i32, i32
  }
  func.func @transform_2(%arg0: i32) -> (i32, i32) {
    %c0_i32 = arith.constant 0 : i32
    %c0_i32_0 = arith.constant 0 : i32
    return %arg0, %c0_i32 : i32, i32
  }
  func.func @transform_3(%arg0: i32) -> (i32, i32) {
    %c0_i32 = arith.constant 0 : i32
    %c0_i32_0 = arith.constant 0 : i32
    return %arg0, %c0_i32 : i32, i32
  }
  func.func @transform_4(%arg0: i32) -> (i32, i32) {
    %c0_i32 = arith.constant 0 : i32
    %c0_i32_0 = arith.constant 0 : i32
    %c0_i32_1 = arith.constant 0 : i32
    return %c0_i32, %c0_i32_0 : i32, i32
  }
  func.func @transform_5(%arg0: i32) -> (i32, i32) {
    %c0_i32 = arith.constant 0 : i32
    %c0_i32_0 = arith.constant 0 : i32
    %c0_i32_1 = arith.constant 0 : i32
    return %c0_i32, %c0_i32_0 : i32, i32
  }
  func.func @transform_6(%arg0: i32) -> (i32, i32) {
    %c0_i32 = arith.constant 0 : i32
    %c0_i32_0 = arith.constant 0 : i32
    %c0_i32_1 = arith.constant 0 : i32
    return %c0_i32, %c0_i32_0 : i32, i32
  }
  func.func @transform_7(%arg0: i32) -> (i32, i32) {
    %c0_i32 = arith.constant 0 : i32
    %c0_i32_0 = arith.constant 0 : i32
    %c0_i32_1 = arith.constant 0 : i32
    return %c0_i32, %c0_i32_0 : i32, i32
  }
  func.func @transform_8(%arg0: i32) -> (i32, i32) {
    %c0_i32 = arith.constant 0 : i32
    %c0_i32_0 = arith.constant 0 : i32
    return %arg0, %c0_i32 : i32, i32
  }
  func.func @transform_9(%arg0: i32) -> (i32, i32) {
    %c0_i32 = arith.constant 0 : i32
    %c0_i32_0 = arith.constant 0 : i32
    return %arg0, %c0_i32 : i32, i32
  }
}

module attributes {stable_mosaic.version = 14 : i64} {
  func.func @_mlp_pool_body(%arg0: i32, %arg1: memref<1000x128xf32, #tpu.memory_space<vmem>>, %arg2: memref<1000x128xf32, #tpu.memory_space<vmem>>, %arg3: memref<1000x128xf32, #tpu.memory_space<vmem>>, %arg4: memref<1000x128xf32, #tpu.memory_space<vmem>>, %arg5: memref<256x512xf32, #tpu.memory_space<vmem>>, %arg6: memref<1x512xf32, #tpu.memory_space<vmem>>, %arg7: memref<512x256xf32, #tpu.memory_space<vmem>>, %arg8: memref<1x256xf32, #tpu.memory_space<vmem>>, %arg9: memref<1x1x1000xi32, #tpu.memory_space<vmem>>, %arg10: memref<64x256xf32, #tpu.memory_space<vmem>>) attributes {dimension_semantics = [#tpu.dimension_semantics<arbitrary>], iteration_bounds = array<i64: 10>, scalar_prefetch = 0 : i64, scratch_operands = 0 : i64, tpu.core_type = #tpu.core_type<tc>, window_params = [{transform_indices = @transform_0, window_bounds = array<i64: 1000, 128>}, {transform_indices = @transform_1, window_bounds = array<i64: 1000, 128>}, {transform_indices = @transform_2, window_bounds = array<i64: 1000, 128>}, {transform_indices = @transform_3, window_bounds = array<i64: 1000, 128>}, {pipeline_mode = #tpu.pipeline_mode<synchronous>, transform_indices = @transform_4, window_bounds = array<i64: 256, 512>}, {pipeline_mode = #tpu.pipeline_mode<synchronous>, transform_indices = @transform_5, window_bounds = array<i64: 1, 512>}, {pipeline_mode = #tpu.pipeline_mode<synchronous>, transform_indices = @transform_6, window_bounds = array<i64: 512, 256>}, {pipeline_mode = #tpu.pipeline_mode<synchronous>, transform_indices = @transform_7, window_bounds = array<i64: 1, 256>}, {transform_indices = @transform_8, window_bounds = array<i64: 1, 1, 1000>}, {pipeline_mode = #tpu.pipeline_mode<synchronous>, transform_indices = @transform_9, window_bounds = array<i64: 64, 256>}]} {
    %get3A = arith.constant 0 : index
    %get3A_0 = arith.constant 0 : index
    %get3A_1 = vector.load %arg1[%get3A, %get3A_0] : memref<1000x128xf32, #tpu.memory_space<vmem>>, vector<1000x128xf32>
    %get3A_2 = arith.constant 0 : index
    %get3A_3 = arith.constant 0 : index
    %get3A_4 = vector.load %arg3[%get3A_2, %get3A_3] : memref<1000x128xf32, #tpu.memory_space<vmem>>, vector<1000x128xf32>
    %add3A = arith.addf %get3A_1, %get3A_4 : vector<1000x128xf32>
    %get3A_5 = arith.constant 0 : index
    %get3A_6 = arith.constant 0 : index
    %get3A_7 = vector.load %arg2[%get3A_5, %get3A_6] : memref<1000x128xf32, #tpu.memory_space<vmem>>, vector<1000x128xf32>
    %get3A_8 = arith.constant 0 : index
    %get3A_9 = arith.constant 0 : index
    %get3A_10 = vector.load %arg4[%get3A_8, %get3A_9] : memref<1000x128xf32, #tpu.memory_space<vmem>>, vector<1000x128xf32>
    %add3A_11 = arith.addf %get3A_7, %get3A_10 : vector<1000x128xf32>
    %concatenate3A = tpu.concatenate %add3A, %add3A_11 in 1 : vector<1000x128xf32>, vector<1000x128xf32> -> vector<1000x256xf32>
    %get3A_12 = arith.constant 0 : index
    %get3A_13 = arith.constant 0 : index
    %get3A_14 = vector.load %arg5[%get3A_12, %get3A_13] : memref<256x512xf32, #tpu.memory_space<vmem>>, vector<256x512xf32>
    %dot_general3A = arith.constant dense<0.000000e+00> : vector<1000x512xf32>
    %dot_general3A_15 = tpu.matmul %concatenate3A, %get3A_14, %dot_general3A {dimension_numbers = #tpu.dot_dimension_numbers<[1], [0], [0], [1], [0, 0, 1, 1], [], []>, transpose_lhs_hint = false} : vector<1000x256xf32>, vector<256x512xf32>, vector<1000x512xf32> -> vector<1000x512xf32>
    %get3A_16 = arith.constant 0 : index
    %get3A_17 = arith.constant 0 : index
    %get3A_18 = vector.load %arg6[%get3A_16, %get3A_17] : memref<1x512xf32, #tpu.memory_space<vmem>>, vector<1x512xf32>
    %add3A_19 = vector.broadcast %get3A_18 : vector<1x512xf32> to vector<1000x512xf32>
    %add3A_20 = arith.addf %dot_general3A_15, %add3A_19 : vector<1000x512xf32>
    %max3A = arith.constant 0.000000e+00 : f32
    %max3A_21 = vector.broadcast %max3A : f32 to vector<1000x512xf32>
    %max3A_22 = arith.maximumf %add3A_20, %max3A_21 : vector<1000x512xf32>
    %get3A_23 = arith.constant 0 : index
    %get3A_24 = arith.constant 0 : index
    %get3A_25 = vector.load %arg7[%get3A_23, %get3A_24] : memref<512x256xf32, #tpu.memory_space<vmem>>, vector<512x256xf32>
    %dot_general3A_26 = arith.constant dense<0.000000e+00> : vector<1000x256xf32>
    %dot_general3A_27 = tpu.matmul %max3A_22, %get3A_25, %dot_general3A_26 {dimension_numbers = #tpu.dot_dimension_numbers<[1], [0], [0], [1], [0, 0, 1, 1], [], []>, transpose_lhs_hint = false} : vector<1000x512xf32>, vector<512x256xf32>, vector<1000x256xf32> -> vector<1000x256xf32>
    %get3A_28 = arith.constant 0 : index
    %get3A_29 = arith.constant 0 : index
    %get3A_30 = vector.load %arg8[%get3A_28, %get3A_29] : memref<1x256xf32, #tpu.memory_space<vmem>>, vector<1x256xf32>
    %add3A_31 = vector.broadcast %get3A_30 : vector<1x256xf32> to vector<1000x256xf32>
    %add3A_32 = arith.addf %dot_general3A_27, %add3A_31 : vector<1000x256xf32>
    %max3A_33 = arith.constant 0.000000e+00 : f32
    %max3A_34 = vector.broadcast %max3A_33 : f32 to vector<1000x256xf32>
    %max3A_35 = arith.maximumf %add3A_32, %max3A_34 : vector<1000x256xf32>
    %get3A_36 = arith.constant 0 : index
    %get3A_37 = arith.constant 0 : index
    %get3A_38 = arith.constant 0 : index
    %get3A_39 = vector.load %arg9[%get3A_36, %get3A_37, %get3A_38] : memref<1x1x1000xi32, #tpu.memory_space<vmem>>, vector<1x1x1000xi32>
    %reshape3A = vector.shape_cast %get3A_39 : vector<1x1x1000xi32> to vector<1x1000xi32>
    %iota3A = tpu.iota {dimensions = array<i32: 0>} : vector<64x1000xi32>
    %eq3A = vector.broadcast %reshape3A : vector<1x1000xi32> to vector<64x1000xi32>
    %eq3A_40 = arith.cmpi eq, %eq3A, %iota3A : vector<64x1000xi32>
    %convert_element_type3A = arith.extui %eq3A_40 : vector<64x1000xi1> to vector<64x1000xi32>
    %convert_element_type3A_41 = arith.sitofp %convert_element_type3A : vector<64x1000xi32> to vector<64x1000xf32>
    %dot_general3A_42 = arith.constant dense<0.000000e+00> : vector<64x256xf32>
    %dot_general3A_43 = tpu.matmul %convert_element_type3A_41, %max3A_35, %dot_general3A_42 {dimension_numbers = #tpu.dot_dimension_numbers<[1], [0], [0], [1], [0, 0, 1, 1], [], []>, transpose_lhs_hint = false} : vector<64x1000xf32>, vector<1000x256xf32>, vector<64x256xf32> -> vector<64x256xf32>
    %eq3A_44 = arith.constant 0 : i32
    %eq3A_45 = arith.cmpi eq, %arg0, %eq3A_44 : i32
    %convert_element_type3A_46 = arith.extui %eq3A_45 : i1 to i32
    %cond3A = arith.constant 0 : i32
    %cond3A_47 = arith.cmpi ne, %convert_element_type3A_46, %cond3A : i32
    scf.if %cond3A_47 {
      %broadcast_in_dim3A = arith.constant 0.000000e+00 : f32
      %broadcast_in_dim3A_54 = vector.broadcast %broadcast_in_dim3A : f32 to vector<64x256xf32>
      %swap3A_55 = arith.constant 0 : index
      %swap3A_56 = arith.constant 0 : index
      %swap3A_57 = vector.load %arg10[%swap3A_55, %swap3A_56] : memref<64x256xf32, #tpu.memory_space<vmem>>, vector<64x256xf32>
      tpu.vector_store %arg10[%swap3A_55, %swap3A_56], %broadcast_in_dim3A_54 {strides = array<i32>} : memref<64x256xf32, #tpu.memory_space<vmem>>, vector<64x256xf32>,
    } else {
    }
    %get3A_48 = arith.constant 0 : index
    %get3A_49 = arith.constant 0 : index
    %get3A_50 = vector.load %arg10[%get3A_48, %get3A_49] : memref<64x256xf32, #tpu.memory_space<vmem>>, vector<64x256xf32>
    %add3A_51 = arith.addf %get3A_50, %dot_general3A_43 : vector<64x256xf32>
    %swap3A = arith.constant 0 : index
    %swap3A_52 = arith.constant 0 : index
    %swap3A_53 = vector.load %arg10[%swap3A, %swap3A_52] : memref<64x256xf32, #tpu.memory_space<vmem>>, vector<64x256xf32>
    tpu.vector_store %arg10[%swap3A, %swap3A_52], %add3A_51 {strides = array<i32>} : memref<64x256xf32, #tpu.memory_space<vmem>>, vector<64x256xf32>,
    return
  }
  func.func @transform_0(%arg0: i32) -> (i32, i32) {
    %c0_i32 = arith.constant 0 : i32
    %c0_i32_0 = arith.constant 0 : i32
    return %arg0, %c0_i32 : i32, i32
  }
  func.func @transform_1(%arg0: i32) -> (i32, i32) {
    %c0_i32 = arith.constant 0 : i32
    %c0_i32_0 = arith.constant 0 : i32
    return %arg0, %c0_i32 : i32, i32
  }
  func.func @transform_2(%arg0: i32) -> (i32, i32) {
    %c0_i32 = arith.constant 0 : i32
    %c0_i32_0 = arith.constant 0 : i32
    return %arg0, %c0_i32 : i32, i32
  }
  func.func @transform_3(%arg0: i32) -> (i32, i32) {
    %c0_i32 = arith.constant 0 : i32
    %c0_i32_0 = arith.constant 0 : i32
    return %arg0, %c0_i32 : i32, i32
  }
  func.func @transform_4(%arg0: i32) -> (i32, i32) {
    %c0_i32 = arith.constant 0 : i32
    %c0_i32_0 = arith.constant 0 : i32
    %c0_i32_1 = arith.constant 0 : i32
    return %c0_i32, %c0_i32_0 : i32, i32
  }
  func.func @transform_5(%arg0: i32) -> (i32, i32) {
    %c0_i32 = arith.constant 0 : i32
    %c0_i32_0 = arith.constant 0 : i32
    %c0_i32_1 = arith.constant 0 : i32
    return %c0_i32, %c0_i32_0 : i32, i32
  }
  func.func @transform_6(%arg0: i32) -> (i32, i32) {
    %c0_i32 = arith.constant 0 : i32
    %c0_i32_0 = arith.constant 0 : i32
    %c0_i32_1 = arith.constant 0 : i32
    return %c0_i32, %c0_i32_0 : i32, i32
  }
  func.func @transform_7(%arg0: i32) -> (i32, i32) {
    %c0_i32 = arith.constant 0 : i32
    %c0_i32_0 = arith.constant 0 : i32
    %c0_i32_1 = arith.constant 0 : i32
    return %c0_i32, %c0_i32_0 : i32, i32
  }
  func.func @transform_8(%arg0: i32) -> (i32, i32, i32) {
    %c0_i32 = arith.constant 0 : i32
    %c0_i32_0 = arith.constant 0 : i32
    %c0_i32_1 = arith.constant 0 : i32
    return %arg0, %c0_i32, %c0_i32_0 : i32, i32, i32
  }
  func.func @transform_9(%arg0: i32) -> (i32, i32) {
    %c0_i32 = arith.constant 0 : i32
    %c0_i32_0 = arith.constant 0 : i32
    %c0_i32_1 = arith.constant 0 : i32
    return %c0_i32, %c0_i32_0 : i32, i32
  }
}

</mosaic_0001>

<sc_bundles>
// kernel: kernel.12.cloned.1.call-start
scs
__scs_entry_jumppad:
0x0: {  	(pc) =	sbr.rel $0x88, $3  }
0x1: {  	(tag) =	ssettag $0x0;
	lr =	simm.s32 $0x1  }
0x2: {  	[smem:$0x3F90] =	sst lr;
	_ =	strace $0xD0000000  }
0x3: {  	_ = 	snop  }
0x4: {  	_ = 	snop  }
0x5: {  	_ = 	snop  }
0x6: {  	_ = 	snop  }
0x7: {  	_ = 	snop  }
__scs_overlays_trampoline_lowered:
0x8: {  	[smem:$0x3F9F] =	sst s0  }
0x9: {  	[smem:$0x3FA0] =	sst s1  }
0xa: {  	[smem:$0x3FA1] =	sst s2  }
0xb: {  	[smem:$0x3FA2] =	sst s3  }
0xc: {  	[smem:$0x3FA3] =	sst s4  }
0xd: {  	[smem:$0x3FA4] =	sst s5  }
0xe: {  	[smem:$0x3FA5] =	sst s6  }
0xf: {  	[smem:$0x3FA6] =	sst s7  }
0x10: {  	[smem:$0x3FA7] =	sst s8  }
0x11: {  	[smem:$0x3FA8] =	sst s9;
	s0 =	simm.s32 @!p0 $0x0  }
0x12: {  	s1 =	sld [smem:$0x3F8E];
	s0 =	simm.s32 @p0 $0x1  }
0x13: {  	[smem:$0x3FA9] =	sst s0;
	s0 =	simm.s32 @!p1 $0x0  }
0x14: {  	s2 =	sld [smem:$0x3F8D];
	s0 =	simm.s32 @p1 $0x1  }
0x15: {  	[smem:$0x3FAA] =	sst s0;
	s0 =	simm.s32 @!p2 $0x0  }
0x16: {  	s3 =	sld [smem:$0x3FDB];
	s0 =	simm.s32 @p2 $0x1  }
0x17: {  	s4 =	simm.s32 $0x1BF5;
	[smem:$0x3FAC] =	sst s0  }
0x18: {  	s0 =	sld [smem:$0x3F8F];
	_ =	swait.ge [sflag:s4], $0x0  }
0x19: {  	s7 =	sld [smem:$0x3F90]  }
0x1a: {  	s8 =	sadd.s32 $0xFFFFE003, lr  }
0x1b: {  	s9 =	sadd.s32 $0xFFFFFEF7, lr;
	s5 =	simm.s32 $0xFFFFFFFF;
	p2 =	slt.u32 s8, $0xFFFFF086  }
0x1c: {  	p1 =	slt.u32 s9, $0xF7A;
	s5 =	simm.s32 @!p2 $0x0  }
0x1d: {  	s5 =	simm.s32 @p1 $0x1;
	p0 =	seq.s32 s7, s2  }
0x1e: {  	s7 =	smul.u32 @!p0 $0xF7A, s2;
	p2 =	seq.s32 @!p0 s5, $0x0  }
0x1f: {  	s9 =	smul.u32 $0xF7A, s1;
	s8 =	simm.s32 @!p0 $0x1BF5;
	p2 =	por !p2, p0  }
0x20: {  	[sflag:s8] =	ssyncset.s32 @!p0 $0xFFFFF086;
	s6 =	sadd.s32 @!p0 s3, s7;
	s7 =	simm.s32 @!p0 $0x108  }
0x21: {  	s3 =	sadd.s32 s3, s9;
	s6 =	sadd.s32 @!p0 $0x88, s6;
	s7 =	simm.s32 @p2 $0x1082  }
0x22: {  	[simem:s7], [sflag:s8] =	dma.local @!p0 [hbm:s6], $0xF7A  }
0x23: {  	s9 =	sor.u32 $0xD0000000, s2;
	s6 =	simm.s32 $0x108;
	_ =	swait.ge @!p0 [sflag:s8], $0x0  }
0x24: {  	s3 =	sadd.s32 $0x88, s3;
	s6 =	simm.s32 @!p1 $0x1082;
	[sflag:s4] =	ssyncset.s32 $0xFFFFF086  }
0x25: {  	[simem:s6], [sflag:s4] =	dma.local [hbm:s3], $0xF7A  }
0x26: {  	[smem:$0x3F90] =	sst s1;
	(tag) =	ssettag s2;
	_ =	strace s9  }
0x27: {  	s1 =	sld [smem:$0x3FA0]  }
0x28: {  	s2 =	sld [smem:$0x3FA1]  }
0x29: {  	s4 =	sld [smem:$0x3FA3]  }
0x2a: {  	p0 =	seq.s32 s5, $0x0;
	s5 =	sld [smem:$0x3FA4]  }
0x2b: {  	s6 =	sld [smem:$0x3FA5]  }
0x2c: {  	s7 =	sld [smem:$0x3FA6]  }
0x2d: {  	s3 =	simm.s32 $0x108;
	s8 =	sld [smem:$0x3FA7]  }
0x2e: {  	s3 =	simm.s32 @!p0 $0x1082;
	s9 =	sld [smem:$0x3FA8]  }
0x2f: {  	lr =	sadd.s32 s0, s3;
	s0 =	sld [smem:$0x3F9F]  }
0x30: {  	s3 =	sld [smem:$0x3FA2]  }
0x31: {  	[smem:$0x3FAB] =	sst s10  }
0x32: {  	s10 =	sld [smem:$0x3FA9];
	_ =	sdelay $0x3  }
0x33: {  	p0 =	seq.s32 s10, $0x1;
	s10 =	sld [smem:$0x3FAB];
	_ =	sdelay $0x3  }
0x34: {  	[smem:$0x3FAB] =	sst s10  }
0x35: {  	s10 =	sld [smem:$0x3FAA];
	_ =	sdelay $0x3  }
0x36: {  	p1 =	seq.s32 s10, $0x1;
	s10 =	sld [smem:$0x3FAB];
	_ =	sdelay $0x3  }
0x37: {  	[smem:$0x3FAB] =	sst s10  }
0x38: {  	s10 =	sld [smem:$0x3FAC]  }
0x39: {  	_ = 	snop;
	(pc) =	sbr.ind lr, $3  }
0x3a: {  	_ = 	snop  }
0x3b: {  	_ = 	snop  }
0x3c: {  	p2 =	seq.s32 s10, $0x1;
	s10 =	sld [smem:$0x3FAB]  }
0x3d: {  	_ =	shalt  }
0x3e: {  	_ =	shalt  }
0x3f: {  	_ =	shalt  }
0x40: {  	_ =	shalt  }
0x41: {  	_ =	shalt  }
0x42: {  	_ =	shalt  }
0x43: {  	_ =	shalt  }
0x44: {  	_ =	shalt  }
0x45: {  	_ =	shalt  }
0x46: {  	_ =	shalt  }
0x47: {  	_ =	shalt  }
0x48: {  	_ =	shalt  }
0x49: {  	_ =	shalt  }
0x4a: {  	_ =	shalt  }
0x4b: {  	_ =	shalt  }
0x4c: {  	_ =	shalt  }
0x4d: {  	_ =	shalt  }
0x4e: {  	_ =	shalt  }
0x4f: {  	_ =	shalt  }
0x50: {  	_ =	shalt  }
0x51: {  	_ =	shalt  }
0x52: {  	_ =	shalt  }
0x53: {  	_ =	shalt  }
0x54: {  	_ =	shalt  }
0x55: {  	_ =	shalt  }
0x56: {  	_ =	shalt  }
0x57: {  	_ =	shalt  }
0x58: {  	_ =	shalt  }
0x59: {  	_ =	shalt  }
0x5a: {  	_ =	shalt  }
0x5b: {  	_ =	shalt  }
0x5c: {  	_ =	shalt  }
0x5d: {  	_ =	shalt  }
0x5e: {  	_ =	shalt  }
0x5f: {  	_ =	shalt  }
0x60: {  	_ =	shalt  }
0x61: {  	_ =	shalt  }
0x62: {  	_ =	shalt  }
0x63: {  	_ =	shalt  }
0x64: {  	_ =	shalt  }
0x65: {  	_ =	shalt  }
0x66: {  	_ =	shalt  }
0x67: {  	_ =	shalt  }
0x68: {  	_ =	shalt  }
0x69: {  	_ =	shalt  }
0x6a: {  	_ =	shalt  }
0x6b: {  	_ =	shalt  }
0x6c: {  	_ =	shalt  }
0x6d: {  	_ =	shalt  }
0x6e: {  	_ =	shalt  }
0x6f: {  	_ =	shalt  }
0x70: {  	_ =	shalt  }
0x71: {  	_ =	shalt  }
0x72: {  	_ =	shalt  }
0x73: {  	_ =	shalt  }
0x74: {  	_ =	shalt  }
0x75: {  	_ =	shalt  }
0x76: {  	_ =	shalt  }
0x77: {  	_ =	shalt  }
0x78: {  	_ =	shalt  }
0x79: {  	_ =	shalt  }
0x7a: {  	_ =	shalt  }
0x7b: {  	_ =	shalt  }
0x7c: {  	_ =	shalt  }
0x7d: {  	_ =	shalt  }
0x7e: {  	_ =	shalt  }
0x7f: {  	_ =	shalt  }
0x80: {  	_ =	shalt  }
0x81: {  	_ =	shalt  }
0x82: {  	_ =	shalt  }
0x83: {  	_ =	shalt  }
0x84: {  	_ =	shalt  }
0x85: {  	_ =	shalt  }
0x86: {  	_ =	shalt  }
0x87: {  	_ =	shalt  }
.Lfunc_end0:
.L_simem_size_0:
called_computation.1_lowered:
.L_overlay_start_0:
0x88: {  	s2 =	sld [smem:$0x3FD9]  }
0x89: {  	s3 =	sld [smem:$0x3FFE];
	_ =	sdelay $0x1  }
0x8a: {  	s1 =	srdreg.scid  }
0x8b: {  	s0 =	sand.u32 $0x1, s1  }
0x8c: {  	s16 =	sshll.u32 s0, $0xA;
	s2 =	sadd.s32 s3, s2  }
0x8d: {  	s2 =	sadd.s32 s2, s16  }
0x8e: {  	[smem:$0x3FB7] =	sst s2  }
0x8f: {  	_ = 	snop  }
0x90: {  	(tm) =	ssettm $0x1  }
0x91: {  	s17 =	sld [smem:$0x3FFB];
	_ =	sdelay $0x3  }
0x92: {  	_ =	strace s17  }
0x93: {  	s2 =	sld [smem:$0x3FFC];
	_ =	sdelay $0x3  }
0x94: {  	_ =	strace s2  }
0x95: {  	s2 =	sld [smem:$0x3FFD];
	_ =	sdelay $0x3  }
0x96: {  	_ =	strace s2  }
0x97: {  	_ =	strace $0x8FFFFFFF  }
0x98: {  	s18 =	sld [smem:$0x3FDB];
	_ =	sdelay $0x1  }
0x99: {  	s19 =	simm.s32 $_scs_section_size  }
0x9a: {  	s4 =	simm.s32 $_size__tile_overlayer_lowered;
	s5 =	simm.s32 $_tile_overlayer_lowered  }
0x9b: {  	s22 =	simm.s32 $0x1BFF;
	s21 =	sshll.u32 s5, $0x1;
	s2 =	sadd.s32 s19, s18  }
0x9c: {  	s6 =	simm.s32 $0x0;
	s20 =	sshll.u32 s4, $0x1;
	s4 =	sadd.s32 s21, s2  }
0x9d: {  	[timem:s6], [sflag:s22] =	dma.local [hbm:s4], s20  }
0x9e: {  	_ =	swait.ge [sflag:s22], s20  }
0x9f: {  	s3 =	ssub.s32 $0x0, s20;
	[sflag:s22] =	ssyncset.done $0x0  }
0xa0: {  	[sflag:s22] =	ssyncadd.s32 s3;
	_ =	sdelay $0x1  }
0xa1: {  	s23 =	simm.s32 $0x1B8B  }
0xa2: {  	_ =	swait.ge [sflag:s23], $0x1  }
0xa3: {  	[sflag:s23] =	ssyncset.done $0x0  }
0xa4: {  	s25 =	simm.s32 $0x1B8E;
	s24 =	sld [smem:$0x3FFE];
	[sflag:s23] =	ssyncadd.s32 $0xFFFFFFFF  }
0xa5: {  	s26 =	simm.s32 $execute0_lowered;
	[smem:$0x3FD2] =	sst s25  }
0xa6: {  	s4 =	sshll.u32 s26, $0x1;
	_ =	strace $0x80000049;
	[dreg:$0x1] =	wrdreg $0xFFFFFFFF  }
0xa7: {  	s28 =	simm.s32 $_size_execute0_lowered;
	s2 =	sadd.s32 s2, s4;
	[dreg:$0x0] =	wrdreg $0x0  }
0xa8: {  	s4 =	sshll.u32 s28, $0x1;
	[dreg:$0x2] =	wrdreg s2  }
0xa9: {  	[dreg:$0x3] =	wrdreg s4  }
0xaa: {  	[dreg:$0x4] =	wrdreg $0xC0  }
0xab: {  	_ =	task [dreg:s6], $0x5FFFF  }
0xac: {  	[dreg:$0x1] =	wrdreg $0xFFFFFFFF  }
0xad: {  	[dreg:$0x0] =	wrdreg $0x60  }
0xae: {  	[dreg:$0x2] =	wrdreg s24  }
0xaf: {  	[dreg:$0x3] =	wrdreg $0xA8000  }
0xb0: {  	[dreg:$0x4] =	wrdreg $0x9  }
0xb1: {  	_ =	task.clear_ibuf [dreg:s6], $0x5FFFF;
	_ =	strace $0x90000049  }
0xb2: {  	s29 =	simm.s32 $0x9;
	_ =	strace $0x8000004B  }
0xb3: {  	_ =	swait.ge [sflag:s29], $0x1  }
0xb4: {  	[sflag:s29] =	ssyncadd.s32 $0xFFFFFFFF  }
0xb5: {  	_ =	strace $0x9000004B  }
0xb6: {  	_ =	sfence  }
0xb7: {  	s30 =	sld [smem:$0x0];
	_ =	sdelay $0x2  }
0xb8: {  	s31 =	sshll.u32 s1, $0xD;
	s1 =	sshrl.u32 s1, $0x2  }
0xb9: {  	s3 =	sand.u32 $0x4000, s31;
	s1 =	sadd.s32 s1, s30  }
0xba: {  	s0 =	sor.u32 s3, s0;
	s1 =	sshll.u32 s1, $0x11  }
0xbb: {  	s0 =	sor.u32 s1, s0  }
0xbc: {  	s0 =	sadd.s32 $0x8F2B, s0  }
0xbd: {  	[sflag:s0] =	ssyncadd.remote.s32 $0x1  }
0xbe: {  	_ =	sfence.sel $0xFFFF  }
0xbf: {  	[dreg:$0x0] =	wrdreg $0xFFFFFFFF;
	(pc) =	sbr.abs _section_cstart, $3  }
0xc0: {  	[dreg:$0x1] =	wrdreg $0xFFFFFFFF  }
0xc1: {  	_ =	task.clear_ibuf [dreg:s6], $0x2FFFF;
	_ =	strace $0x9FFFFFFF  }
0xc2: {  	(tm) =	ssettm $0x7FFFFFFF  }
0xc3: {  	_ =	shalt  }
tec
execute0_lowered:
.L_overlay_start_1:
0x0: {  	(tag) =	ssettag $0x1  }
0x1: {  	s13 =	rddreg [dreg:$0x0]  }
0x2: {  	s1 =	rddreg [dreg:$0x1]  }
0x3: {  	s0 =	rddreg [dreg:$0x2];
	s3 =	simm.s32 $0x0;
	s2 =	stileid.u32  }
0x4: {  	s5 =	srdreg.scid;
	s19 =	simm.s32 $0x4000;
	s20 =	simm.s32 $0x50  }
0x5: {  	s21 =	simm.s32 $0x8000;
	s22 =	simm.s32 $0x1;
	s23 =	simm.s32 $0x0  }
0x6: {  	[smem:$0x7FF] =	sst s3;
	s4 =	sadd.s32 $0x15800, s13;
	s6 =	smul.u32 $0x2700, s2  }
0x7: {  	s7 =	sshll.u32 s2, $0xB;
	s18 =	sand.u32 $0x1, s5;
	s8 =	smul.u32 $0x4E000, s2  }
0x8: {  	s5 =	sadd.s32 $0x3CA00, s13;
	s15 =	sadd.s32 $0x124800, s1;
	s11 =	sadd.s32 $0xD6900, s13  }
0x9: {  	p0 =	seq.s32 s2, $0xF;
	_ =	strace $0x8000004A;
	s9 =	sadd.s32 s7, s13  }
0xa: {  	s30 =	ssub.s32 $0x2, s18;
	s7 =	sadd.s32 $0x88500, s13;
	s15 =	sshrl.u32 @p0 s15, $0x3  }
0xb: {  	s16 =	sshll.u32 @!p0 s2, $0x6;
	p1 =	sne.s32 s18, $0x0;
	s18 =	simm.s32 $0x2  }
.Ltmp0:
0xc: {  	s12 =	sadd.s32 s6, s13;
	s31 =	sshrl.u32 s30, $0x1;
	(pc) =	sbr.rel .LBB2_1-.Ltmp0, $4  }
0xd: {  	s8 =	sshrl.u32 s8, $0x2;
	s13 =	sadd.s32 $0xAF700, s13;
	s16 =	sor.u32 @!p0 $0x1C02, s16  }
0xe: {  	s14 =	ssub.s32 s30, s31;
	s17 =	sadd.s32 s8, s1;
	s6 =	sadd.s32 $0x63C00, s12  }
0xf: {  	s8 =	sadd.s32 $0x5800, s9;
	s9 =	sadd.s32 $0xD800, s9;
	s10 =	sadd.s32 $0xB2000, s12  }
0x10: {  	s12 =	sadd.s32 $0x8AE00, s12;
	s14 =	smax.u32 s14, $0x1;
	s17 =	sshrl.u32 @!p0 s17, $0x3  }
.LBB2_7:
0x11: {  	s24 =	sshra.s32 s24, $0x2;
	[sflag:s18] =	ssyncadd.s32 $0xFFFFD800  }
0x12: {  	[tilespmem:s21], [sflag:$0x1] =	stream.indirect.gather [hbm4b:s5+s20], $0x80, s24, s20, $0xb8;
	[tilespmem:$0x1E080] =	vst v63  }
0x13: {  	_ =	swait.ge [sflag:s22], $0x2800  }
0x14: {  	[sflag:s22] =	ssyncset.done $0x0  }
0x15: {  	s24 =	sadd.s32 $0x4000, s24;
	[sflag:s22] =	ssyncadd.s32 $0xFFFFD800  }
0x16: {  	[spmem:s1] =	stream.indirect.scatter.add.f32 [tilespmem:s21], [sflag:$0x2], $0x80, s24, s20, $0xb8;
	[tilespmem:$0x1E080] =	vst v63  }
0x17: {  	_ =	swait.ge [sflag:s18], $0x2800  }
0x18: {  	[sflag:s18] =	ssyncset.done $0x0  }
0x19: {  	[sflag:s18] =	ssyncadd.s32 $0xFFFFD800  }
0x1a: {  	s24 =	simm.s32 @p0 $0x1FC2;
	[bflag:$0x0] =	sbarrier.arrive $0xFFFF  }
0x1b: {  	[hbm:s11], [sflag:s24] =	dma.local @p0 [spmem:s15], $0x2800  }
0x1c: {  	s24 =	simm.s32 @p0 $0x2  }
0x1d: {  	_ =	swait.ge @p0 [sflag:s24], $0x2800  }
0x1e: {  	[sflag:s24] =	ssyncset.done @p0 $0x0  }
0x1f: {  	[sflag:s24] =	ssyncadd.s32 @p0 $0xFFFFD800;
	s24 =	simm.s32 @!p0 $0x2  }
0x20: {  	[hbm:s10], [sflag:s16] =	dma.local @!p0 [spmem:s17], $0x2700  }
0x21: {  	_ =	swait.ge @!p0 [sflag:s24], $0x2700  }
0x22: {  	[sflag:s24] =	ssyncset.done @!p0 $0x0  }
0x23: {  	[sflag:s24] =	ssyncadd.s32 @!p0 $0xFFFFD900  }
.LBB2_8:
0x24: {  	s23 =	sadd.s32 $0x1, s23  }
0x25: {  	p2 =	sne.s32 s23, s14  }
.Ltmp1:
0x26: {  	_ = 	snop;
	(pc) =	sbr.rel @!p2 .LBB2_9-.Ltmp1, $1  }
0x27: {  	_ =	sdelay $0x3  }
.LBB2_1:
0x28: {  	s24 =	simm.s32 @p0 $0x1FC2  }
0x29: {  	[spmem:s15], [sflag:s24] =	dma.local @p0 [hbm:s7], $0x2800  }
0x2a: {  	s24 =	simm.s32 @p0 $0x2  }
0x2b: {  	_ =	swait.ge @p0 [sflag:s24], $0x2800  }
0x2c: {  	[sflag:s24] =	ssyncset.done @p0 $0x0  }
0x2d: {  	[sflag:s24] =	ssyncadd.s32 @p0 $0xFFFFD800;
	s24 =	simm.s32 @!p0 $0x2  }
0x2e: {  	[spmem:s17], [sflag:s16] =	dma.local @!p0 [hbm:s6], $0x2700  }
0x2f: {  	_ =	swait.ge @!p0 [sflag:s24], $0x2700  }
0x30: {  	[sflag:s24] =	ssyncset.done @!p0 $0x0  }
0x31: {  	[sflag:s24] =	ssyncadd.s32 @!p0 $0xFFFFD900  }
0x32: {  	[bflag:$0x0] =	sbarrier.arrive $0xFFFF  }
0x33: {  	[tilespmem:s3], [sflag:$0x2] =	stream.linear.gather [hbm4b:s8+s3], $0x3E80, $0x38;
	[tilespmem:$0x1E080] =	vst v63  }
0x34: {  	_ =	swait.ge [sflag:s18], $0x3E80  }
0x35: {  	[sflag:s18] =	ssyncset.done $0x0  }
.Ltmp2:
0x36: {  	[sflag:s18] =	ssyncadd.s32 $0xFFFFC180;
	(pc) =	sbr.rel @p1 .LBB2_5-.Ltmp2, $4  }
0x37: {  	[tilespmem:s19], [sflag:$0x2] =	stream.linear.gather [hbm4b:s9+s3], $0x3E80, $0x38;
	[tilespmem:$0x1E080] =	vst v63  }
0x38: {  	_ =	swait.ge [sflag:s18], $0x3E80  }
0x39: {  	[sflag:s18] =	ssyncset.done $0x0  }
0x3a: {  	s24 =	simm.s32 $0x0;
	[sflag:s18] =	ssyncadd.s32 $0xFFFFC180  }
0x3b: {  	[tilespmem:s21], [sflag:$0x1] =	stream.indirect.gather [hbm4b:s4+s20], $0x80, s24, s20, $0xb8;
	[tilespmem:$0x1E080] =	vst v63  }
0x3c: {  	_ =	swait.ge [sflag:s22], $0x2800  }
0x3d: {  	[sflag:s22] =	ssyncset.done $0x0  }
0x3e: {  	s31 =	simm.s32 $0x4000;
	[sflag:s22] =	ssyncadd.s32 $0xFFFFD800  }
0x3f: {  	[spmem:s1] =	stream.indirect.scatter.add.f32 [tilespmem:s21], [sflag:$0x2], $0x80, s31, s20, $0xb8;
	[tilespmem:$0x1E080] =	vst v63  }
0x40: {  	_ =	swait.ge [sflag:s18], $0x2800  }
0x41: {  	s24 =	simm.s32 $0x200;
	s25 =	simm.s32 $0x400;
	[sflag:s18] =	ssyncset.done $0x0  }
.LBB2_3:
0x42: {  	s26 =	sshra.s32 s24, $0x2  }
0x43: {  	[sflag:s18] =	ssyncadd.s32 $0xFFFFD800;
	s24 =	smov.u32 s25;
	s28 =	sadd.s32 $0x200, s25  }
0x44: {  	[tilespmem:s21], [sflag:$0x1] =	stream.indirect.gather [hbm4b:s4+s20], $0x80, s26, s20, $0xb8;
	[tilespmem:$0x1E080] =	vst v63  }
0x45: {  	p2 =	sne.s32 s25, $0xF800;
	_ =	swait.ge [sflag:s22], $0x2800  }
.Ltmp3:
0x46: {  	[sflag:s22] =	ssyncset.done $0x0;
	(pc) =	sbr.rel @p2 .LBB2_3-.Ltmp3, $4  }
0x47: {  	s25 =	sadd.s32 $0x4000, s26;
	[sflag:s22] =	ssyncadd.s32 $0xFFFFD800  }
0x48: {  	[spmem:s1] =	stream.indirect.scatter.add.f32 [tilespmem:s21], [sflag:$0x2], $0x80, s25, s20, $0xb8;
	[tilespmem:$0x1E080] =	vst v63  }
0x49: {  	_ =	swait.ge [sflag:s18], $0x2800  }
0x4a: {  	s25 =	smov.u32 s28;
	[sflag:s18] =	ssyncset.done $0x0  }
0x4b: {  	s24 =	sshra.s32 s24, $0x2;
	[sflag:s18] =	ssyncadd.s32 $0xFFFFD800  }
0x4c: {  	[tilespmem:s21], [sflag:$0x1] =	stream.indirect.gather [hbm4b:s4+s20], $0x80, s24, s20, $0xb8;
	[tilespmem:$0x1E080] =	vst v63  }
0x4d: {  	_ =	swait.ge [sflag:s22], $0x2800  }
0x4e: {  	[sflag:s22] =	ssyncset.done $0x0  }
0x4f: {  	s24 =	sadd.s32 $0x4000, s24;
	[sflag:s22] =	ssyncadd.s32 $0xFFFFD800  }
0x50: {  	[spmem:s1] =	stream.indirect.scatter.add.f32 [tilespmem:s21], [sflag:$0x2], $0x80, s24, s20, $0xb8;
	[tilespmem:$0x1E080] =	vst v63  }
0x51: {  	_ =	swait.ge [sflag:s18], $0x2800  }
0x52: {  	[sflag:s18] =	ssyncset.done $0x0  }
0x53: {  	[sflag:s18] =	ssyncadd.s32 $0xFFFFD800  }
0x54: {  	s24 =	simm.s32 @p0 $0x1FC2;
	[bflag:$0x0] =	sbarrier.arrive $0xFFFF  }
0x55: {  	[hbm:s13], [sflag:s24] =	dma.local @p0 [spmem:s15], $0x2800  }
0x56: {  	s24 =	simm.s32 @p0 $0x2  }
0x57: {  	_ =	swait.ge @p0 [sflag:s24], $0x2800  }
0x58: {  	[sflag:s24] =	ssyncset.done @p0 $0x0  }
.Ltmp4:
0x59: {  	[sflag:s24] =	ssyncadd.s32 @p0 $0xFFFFD800;
	s24 =	simm.s32 @!p0 $0x2;
	(pc) =	sbr.rel .LBB2_8-.Ltmp4, $4  }
0x5a: {  	[hbm:s12], [sflag:s16] =	dma.local @!p0 [spmem:s17], $0x2700  }
0x5b: {  	_ =	swait.ge @!p0 [sflag:s24], $0x2700  }
0x5c: {  	[sflag:s24] =	ssyncset.done @!p0 $0x0  }
0x5d: {  	[sflag:s24] =	ssyncadd.s32 @!p0 $0xFFFFD900  }
.LBB2_5:
0x5e: {  	[tilespmem:s21], [sflag:$0x1] =	stream.indirect.gather [hbm4b:s5+s20], $0x80, s24, s20, $0xb8;
	[tilespmem:$0x1E080] =	vst v63  }
0x5f: {  	_ =	swait.ge [sflag:s22], $0x2800  }
0x60: {  	[sflag:s22] =	ssyncset.done $0x0  }
0x61: {  	s31 =	simm.s32 $0x4000;
	[sflag:s22] =	ssyncadd.s32 $0xFFFFD800  }
0x62: {  	[spmem:s1] =	stream.indirect.scatter.add.f32 [tilespmem:s21], [sflag:$0x2], $0x80, s31, s20, $0xb8;
	[tilespmem:$0x1E080] =	vst v63  }
0x63: {  	_ =	swait.ge [sflag:s18], $0x2800  }
0x64: {  	s24 =	simm.s32 $0x200;
	s25 =	simm.s32 $0x400;
	[sflag:s18] =	ssyncset.done $0x0  }
.LBB2_6:
0x65: {  	s26 =	sshra.s32 s24, $0x2  }
0x66: {  	[sflag:s18] =	ssyncadd.s32 $0xFFFFD800;
	s24 =	smov.u32 s25;
	s28 =	sadd.s32 $0x200, s25  }
0x67: {  	[tilespmem:s21], [sflag:$0x1] =	stream.indirect.gather [hbm4b:s5+s20], $0x80, s26, s20, $0xb8;
	[tilespmem:$0x1E080] =	vst v63  }
0x68: {  	p2 =	sne.s32 s25, $0xF800;
	_ =	swait.ge [sflag:s22], $0x2800  }
.Ltmp5:
0x69: {  	[sflag:s22] =	ssyncset.done $0x0;
	(pc) =	sbr.rel @p2 .LBB2_6-.Ltmp5, $4  }
0x6a: {  	s25 =	sadd.s32 $0x4000, s26;
	[sflag:s22] =	ssyncadd.s32 $0xFFFFD800  }
0x6b: {  	[spmem:s1] =	stream.indirect.scatter.add.f32 [tilespmem:s21], [sflag:$0x2], $0x80, s25, s20, $0xb8;
	[tilespmem:$0x1E080] =	vst v63  }
0x6c: {  	_ =	swait.ge [sflag:s18], $0x2800  }
0x6d: {  	s25 =	smov.u32 s28;
	[sflag:s18] =	ssyncset.done $0x0  }
.Ltmp6:
0x6e: {  	_ = 	snop;
	(pc) =	sbr.rel .LBB2_7-.Ltmp6, $1  }
0x6f: {  	_ =	sdelay $0x3  }
.LBB2_9:
0x70: {  	_ =	sfence.sel $0x180000  }
0x71: {  	[bflag:$0x0] =	sbarrier.arrive $0xFFFF  }
0x72: {  	p0 =	sne.s32 s2, $0x0;
	_ =	strace $0x9000004A  }
0x73: {  	s0 =	sadd.s32 @!p0 $0x100000, s0;
	[bflag:$0x2] =	sbarrier.arrive $0xFFFF  }
0x74: {  	[sflag:s0] =	ssyncadd.tile.s32 @!p0 $0x1;
	_ =	shalt  }
.Lfunc_end2:
_tile_overlayer_lowered:
.L_overlay_start_2:
0x75: {  	(tag) =	ssettag $0x2  }
0x76: {  	s0 =	rddreg [dreg:$0x0];
	s2 =	stileid.u32  }
0x77: {  	s1 =	rddreg [dreg:$0x1];
	p0 =	sne.s32 s2, $0x0  }
0x78: {  	s3 =	rddreg [dreg:$0x2];
	[bflag:$0x3] =	sbarrier.arrive $0xFFFF;
	s2 =	simm.s32 @!p0 $0x1C02  }
0x79: {  	[timem:s3], [sflag:s2] =	dma.local @!p0 [hbm:s0], s1  }
0x7a: {  	s0 =	simm.s32 @!p0 $0x2  }
0x7b: {  	_ =	swait.ge @!p0 [sflag:s0], s1  }
0x7c: {  	s1 =	ssub.s32 @!p0 $0x0, s1;
	[sflag:s0] =	ssyncset.done @!p0 $0x0  }
0x7d: {  	[sflag:s0] =	ssyncadd.s32 @!p0 s1  }
0x7e: {  	[bflag:$0x3] =	sbarrier.arrive $0xFFFF  }
0x7f: {  	_ =	shalt  }

// kernel: kernel.15.cloned.1.call-start
scs
__scs_entry_jumppad:
0x0: {  	(pc) =	sbr.rel $0x88, $3  }
0x1: {  	(tag) =	ssettag $0x0;
	lr =	simm.s32 $0x1  }
0x2: {  	[smem:$0x3F90] =	sst lr;
	_ =	strace $0xD0000000  }
0x3: {  	_ = 	snop  }
0x4: {  	_ = 	snop  }
0x5: {  	_ = 	snop  }
0x6: {  	_ = 	snop  }
0x7: {  	_ = 	snop  }
__scs_overlays_trampoline_lowered:
0x8: {  	[smem:$0x3F9F] =	sst s0  }
0x9: {  	[smem:$0x3FA0] =	sst s1  }
0xa: {  	[smem:$0x3FA1] =	sst s2  }
0xb: {  	[smem:$0x3FA2] =	sst s3  }
0xc: {  	[smem:$0x3FA3] =	sst s4  }
0xd: {  	[smem:$0x3FA4] =	sst s5  }
0xe: {  	[smem:$0x3FA5] =	sst s6  }
0xf: {  	[smem:$0x3FA6] =	sst s7  }
0x10: {  	[smem:$0x3FA7] =	sst s8  }
0x11: {  	[smem:$0x3FA8] =	sst s9;
	s0 =	simm.s32 @!p0 $0x0  }
0x12: {  	s1 =	sld [smem:$0x3F8E];
	s0 =	simm.s32 @p0 $0x1  }
0x13: {  	[smem:$0x3FA9] =	sst s0;
	s0 =	simm.s32 @!p1 $0x0  }
0x14: {  	s2 =	sld [smem:$0x3F8D];
	s0 =	simm.s32 @p1 $0x1  }
0x15: {  	[smem:$0x3FAA] =	sst s0;
	s0 =	simm.s32 @!p2 $0x0  }
0x16: {  	s3 =	sld [smem:$0x3FDB];
	s0 =	simm.s32 @p2 $0x1  }
0x17: {  	s4 =	simm.s32 $0x1BF5;
	[smem:$0x3FAC] =	sst s0  }
0x18: {  	s0 =	sld [smem:$0x3F8F];
	_ =	swait.ge [sflag:s4], $0x0  }
0x19: {  	s7 =	sld [smem:$0x3F90]  }
0x1a: {  	s8 =	sadd.s32 $0xFFFFE003, lr  }
0x1b: {  	s9 =	sadd.s32 $0xFFFFFEF7, lr;
	s5 =	simm.s32 $0xFFFFFFFF;
	p2 =	slt.u32 s8, $0xFFFFF086  }
0x1c: {  	p1 =	slt.u32 s9, $0xF7A;
	s5 =	simm.s32 @!p2 $0x0  }
0x1d: {  	s5 =	simm.s32 @p1 $0x1;
	p0 =	seq.s32 s7, s2  }
0x1e: {  	s7 =	smul.u32 @!p0 $0xF7A, s2;
	p2 =	seq.s32 @!p0 s5, $0x0  }
0x1f: {  	s9 =	smul.u32 $0xF7A, s1;
	s8 =	simm.s32 @!p0 $0x1BF5;
	p2 =	por !p2, p0  }
0x20: {  	[sflag:s8] =	ssyncset.s32 @!p0 $0xFFFFF086;
	s6 =	sadd.s32 @!p0 s3, s7;
	s7 =	simm.s32 @!p0 $0x108  }
0x21: {  	s3 =	sadd.s32 s3, s9;
	s6 =	sadd.s32 @!p0 $0x88, s6;
	s7 =	simm.s32 @p2 $0x1082  }
0x22: {  	[simem:s7], [sflag:s8] =	dma.local @!p0 [hbm:s6], $0xF7A  }
0x23: {  	s9 =	sor.u32 $0xD0000000, s2;
	s6 =	simm.s32 $0x108;
	_ =	swait.ge @!p0 [sflag:s8], $0x0  }
0x24: {  	s3 =	sadd.s32 $0x88, s3;
	s6 =	simm.s32 @!p1 $0x1082;
	[sflag:s4] =	ssyncset.s32 $0xFFFFF086  }
0x25: {  	[simem:s6], [sflag:s4] =	dma.local [hbm:s3], $0xF7A  }
0x26: {  	[smem:$0x3F90] =	sst s1;
	(tag) =	ssettag s2;
	_ =	strace s9  }
0x27: {  	s1 =	sld [smem:$0x3FA0]  }
0x28: {  	s2 =	sld [smem:$0x3FA1]  }
0x29: {  	s4 =	sld [smem:$0x3FA3]  }
0x2a: {  	p0 =	seq.s32 s5, $0x0;
	s5 =	sld [smem:$0x3FA4]  }
0x2b: {  	s6 =	sld [smem:$0x3FA5]  }
0x2c: {  	s7 =	sld [smem:$0x3FA6]  }
0x2d: {  	s3 =	simm.s32 $0x108;
	s8 =	sld [smem:$0x3FA7]  }
0x2e: {  	s3 =	simm.s32 @!p0 $0x1082;
	s9 =	sld [smem:$0x3FA8]  }
0x2f: {  	lr =	sadd.s32 s0, s3;
	s0 =	sld [smem:$0x3F9F]  }
0x30: {  	s3 =	sld [smem:$0x3FA2]  }
0x31: {  	[smem:$0x3FAB] =	sst s10  }
0x32: {  	s10 =	sld [smem:$0x3FA9];
	_ =	sdelay $0x3  }
0x33: {  	p0 =	seq.s32 s10, $0x1;
	s10 =	sld [smem:$0x3FAB];
	_ =	sdelay $0x3  }
0x34: {  	[smem:$0x3FAB] =	sst s10  }
0x35: {  	s10 =	sld [smem:$0x3FAA];
	_ =	sdelay $0x3  }
0x36: {  	p1 =	seq.s32 s10, $0x1;
	s10 =	sld [smem:$0x3FAB];
	_ =	sdelay $0x3  }
0x37: {  	[smem:$0x3FAB] =	sst s10  }
0x38: {  	s10 =	sld [smem:$0x3FAC]  }
0x39: {  	_ = 	snop;
	(pc) =	sbr.ind lr, $3  }
0x3a: {  	_ = 	snop  }
0x3b: {  	_ = 	snop  }
0x3c: {  	p2 =	seq.s32 s10, $0x1;
	s10 =	sld [smem:$0x3FAB]  }
0x3d: {  	_ =	shalt  }
0x3e: {  	_ =	shalt  }
0x3f: {  	_ =	shalt  }
0x40: {  	_ =	shalt  }
0x41: {  	_ =	shalt  }
0x42: {  	_ =	shalt  }
0x43: {  	_ =	shalt  }
0x44: {  	_ =	shalt  }
0x45: {  	_ =	shalt  }
0x46: {  	_ =	shalt  }
0x47: {  	_ =	shalt  }
0x48: {  	_ =	shalt  }
0x49: {  	_ =	shalt  }
0x4a: {  	_ =	shalt  }
0x4b: {  	_ =	shalt  }
0x4c: {  	_ =	shalt  }
0x4d: {  	_ =	shalt  }
0x4e: {  	_ =	shalt  }
0x4f: {  	_ =	shalt  }
0x50: {  	_ =	shalt  }
0x51: {  	_ =	shalt  }
0x52: {  	_ =	shalt  }
0x53: {  	_ =	shalt  }
0x54: {  	_ =	shalt  }
0x55: {  	_ =	shalt  }
0x56: {  	_ =	shalt  }
0x57: {  	_ =	shalt  }
0x58: {  	_ =	shalt  }
0x59: {  	_ =	shalt  }
0x5a: {  	_ =	shalt  }
0x5b: {  	_ =	shalt  }
0x5c: {  	_ =	shalt  }
0x5d: {  	_ =	shalt  }
0x5e: {  	_ =	shalt  }
0x5f: {  	_ =	shalt  }
0x60: {  	_ =	shalt  }
0x61: {  	_ =	shalt  }
0x62: {  	_ =	shalt  }
0x63: {  	_ =	shalt  }
0x64: {  	_ =	shalt  }
0x65: {  	_ =	shalt  }
0x66: {  	_ =	shalt  }
0x67: {  	_ =	shalt  }
0x68: {  	_ =	shalt  }
0x69: {  	_ =	shalt  }
0x6a: {  	_ =	shalt  }
0x6b: {  	_ =	shalt  }
0x6c: {  	_ =	shalt  }
0x6d: {  	_ =	shalt  }
0x6e: {  	_ =	shalt  }
0x6f: {  	_ =	shalt  }
0x70: {  	_ =	shalt  }
0x71: {  	_ =	shalt  }
0x72: {  	_ =	shalt  }
0x73: {  	_ =	shalt  }
0x74: {  	_ =	shalt  }
0x75: {  	_ =	shalt  }
0x76: {  	_ =	shalt  }
0x77: {  	_ =	shalt  }
0x78: {  	_ =	shalt  }
0x79: {  	_ =	shalt  }
0x7a: {  	_ =	shalt  }
0x7b: {  	_ =	shalt  }
0x7c: {  	_ =	shalt  }
0x7d: {  	_ =	shalt  }
0x7e: {  	_ =	shalt  }
0x7f: {  	_ =	shalt  }
0x80: {  	_ =	shalt  }
0x81: {  	_ =	shalt  }
0x82: {  	_ =	shalt  }
0x83: {  	_ =	shalt  }
0x84: {  	_ =	shalt  }
0x85: {  	_ =	shalt  }
0x86: {  	_ =	shalt  }
0x87: {  	_ =	shalt  }
.Lfunc_end0:
.L_simem_size_0:
called_computation.2_lowered:
.L_overlay_start_0:
0x88: {  	s2 =	sld [smem:$0x3FD9]  }
0x89: {  	s3 =	sld [smem:$0x3FFE];
	_ =	sdelay $0x1  }
0x8a: {  	s1 =	srdreg.scid  }
0x8b: {  	s0 =	sand.u32 $0x1, s1  }
0x8c: {  	s16 =	sshll.u32 s0, $0xA;
	s2 =	sadd.s32 s3, s2  }
0x8d: {  	s2 =	sadd.s32 s2, s16  }
0x8e: {  	[smem:$0x3FB7] =	sst s2  }
0x8f: {  	_ = 	snop  }
0x90: {  	(tm) =	ssettm $0x1  }
0x91: {  	s17 =	sld [smem:$0x3FFB];
	_ =	sdelay $0x3  }
0x92: {  	_ =	strace s17  }
0x93: {  	s2 =	sld [smem:$0x3FFC];
	_ =	sdelay $0x3  }
0x94: {  	_ =	strace s2  }
0x95: {  	s2 =	sld [smem:$0x3FFD];
	_ =	sdelay $0x3  }
0x96: {  	_ =	strace s2  }
0x97: {  	_ =	strace $0x8FFFFFFF  }
0x98: {  	s18 =	sld [smem:$0x3FDB];
	_ =	sdelay $0x1  }
0x99: {  	s19 =	simm.s32 $_scs_section_size  }
0x9a: {  	s4 =	simm.s32 $_size__tile_overlayer_lowered;
	s5 =	simm.s32 $_tile_overlayer_lowered  }
0x9b: {  	s22 =	simm.s32 $0x1BFF;
	s21 =	sshll.u32 s5, $0x1;
	s2 =	sadd.s32 s19, s18  }
0x9c: {  	s6 =	simm.s32 $0x0;
	s20 =	sshll.u32 s4, $0x1;
	s4 =	sadd.s32 s21, s2  }
0x9d: {  	[timem:s6], [sflag:s22] =	dma.local [hbm:s4], s20  }
0x9e: {  	_ =	swait.ge [sflag:s22], s20  }
0x9f: {  	s3 =	ssub.s32 $0x0, s20;
	[sflag:s22] =	ssyncset.done $0x0  }
0xa0: {  	[sflag:s22] =	ssyncadd.s32 s3;
	_ =	sdelay $0x1  }
0xa1: {  	s23 =	simm.s32 $0x1B8B  }
0xa2: {  	_ =	swait.ge [sflag:s23], $0x1  }
0xa3: {  	[sflag:s23] =	ssyncset.done $0x0  }
0xa4: {  	s25 =	simm.s32 $0x1B8E;
	s24 =	sld [smem:$0x3FFE];
	[sflag:s23] =	ssyncadd.s32 $0xFFFFFFFF  }
0xa5: {  	s26 =	simm.s32 $execute0_lowered;
	[smem:$0x3FD2] =	sst s25  }
0xa6: {  	s4 =	sshll.u32 s26, $0x1;
	_ =	strace $0x8000004C;
	[dreg:$0x1] =	wrdreg $0xFFFFFFFF  }
0xa7: {  	s28 =	simm.s32 $_size_execute0_lowered;
	s2 =	sadd.s32 s2, s4;
	[dreg:$0x0] =	wrdreg $0x0  }
0xa8: {  	s4 =	sshll.u32 s28, $0x1;
	[dreg:$0x2] =	wrdreg s2  }
0xa9: {  	[dreg:$0x3] =	wrdreg s4  }
0xaa: {  	[dreg:$0x4] =	wrdreg $0xC0  }
0xab: {  	_ =	task [dreg:s6], $0x5FFFF  }
0xac: {  	[dreg:$0x1] =	wrdreg $0xFFFFFFFF  }
0xad: {  	[dreg:$0x0] =	wrdreg $0x60  }
0xae: {  	[dreg:$0x2] =	wrdreg s24  }
0xaf: {  	[dreg:$0x3] =	wrdreg $0xA8000  }
0xb0: {  	[dreg:$0x4] =	wrdreg $0x9  }
0xb1: {  	_ =	task.clear_ibuf [dreg:s6], $0x5FFFF;
	_ =	strace $0x9000004C  }
0xb2: {  	s29 =	simm.s32 $0x9;
	_ =	strace $0x8000004E  }
0xb3: {  	_ =	swait.ge [sflag:s29], $0x1  }
0xb4: {  	[sflag:s29] =	ssyncadd.s32 $0xFFFFFFFF  }
0xb5: {  	_ =	strace $0x9000004E  }
0xb6: {  	_ =	sfence  }
0xb7: {  	s30 =	sld [smem:$0x0];
	_ =	sdelay $0x2  }
0xb8: {  	s31 =	sshll.u32 s1, $0xD;
	s1 =	sshrl.u32 s1, $0x2  }
0xb9: {  	s3 =	sand.u32 $0x4000, s31;
	s1 =	sadd.s32 s1, s30  }
0xba: {  	s0 =	sor.u32 s3, s0;
	s1 =	sshll.u32 s1, $0x11  }
0xbb: {  	s0 =	sor.u32 s1, s0  }
0xbc: {  	s0 =	sadd.s32 $0x8F2B, s0  }
0xbd: {  	[sflag:s0] =	ssyncadd.remote.s32 $0x1  }
0xbe: {  	_ =	sfence.sel $0xFFFF  }
0xbf: {  	[dreg:$0x0] =	wrdreg $0xFFFFFFFF;
	(pc) =	sbr.abs _section_cstart, $3  }
0xc0: {  	[dreg:$0x1] =	wrdreg $0xFFFFFFFF  }
0xc1: {  	_ =	task.clear_ibuf [dreg:s6], $0x2FFFF;
	_ =	strace $0x9FFFFFFF  }
0xc2: {  	(tm) =	ssettm $0x7FFFFFFF  }
0xc3: {  	_ =	shalt  }
tec
execute0_lowered:
.L_overlay_start_1:
0x0: {  	(tag) =	ssettag $0x1  }
0x1: {  	s13 =	rddreg [dreg:$0x0]  }
0x2: {  	s1 =	rddreg [dreg:$0x1]  }
0x3: {  	s0 =	rddreg [dreg:$0x2];
	s3 =	simm.s32 $0x0;
	s2 =	stileid.u32  }
0x4: {  	s5 =	srdreg.scid;
	s19 =	simm.s32 $0x4000;
	s20 =	simm.s32 $0x50  }
0x5: {  	s21 =	simm.s32 $0x8000;
	s22 =	simm.s32 $0x1;
	s23 =	simm.s32 $0x0  }
0x6: {  	[smem:$0x7FF] =	sst s3;
	s4 =	sadd.s32 $0x15800, s13;
	s6 =	smul.u32 $0x2700, s2  }
0x7: {  	s7 =	sshll.u32 s2, $0xB;
	s18 =	sand.u32 $0x1, s5;
	s8 =	smul.u32 $0x4E000, s2  }
0x8: {  	s5 =	sadd.s32 $0x3CA00, s13;
	s15 =	sadd.s32 $0x124800, s1;
	s11 =	sadd.s32 $0xD6900, s13  }
0x9: {  	p0 =	seq.s32 s2, $0xF;
	_ =	strace $0x8000004D;
	s9 =	sadd.s32 s7, s13  }
0xa: {  	s30 =	ssub.s32 $0x2, s18;
	s7 =	sadd.s32 $0x88500, s13;
	s15 =	sshrl.u32 @p0 s15, $0x3  }
0xb: {  	s16 =	sshll.u32 @!p0 s2, $0x6;
	p1 =	sne.s32 s18, $0x0;
	s18 =	simm.s32 $0x2  }
.Ltmp0:
0xc: {  	s12 =	sadd.s32 s6, s13;
	s31 =	sshrl.u32 s30, $0x1;
	(pc) =	sbr.rel .LBB2_1-.Ltmp0, $4  }
0xd: {  	s8 =	sshrl.u32 s8, $0x2;
	s13 =	sadd.s32 $0xAF700, s13;
	s16 =	sor.u32 @!p0 $0x1C02, s16  }
0xe: {  	s14 =	ssub.s32 s30, s31;
	s17 =	sadd.s32 s8, s1;
	s6 =	sadd.s32 $0x63C00, s12  }
0xf: {  	s8 =	sadd.s32 $0x5800, s9;
	s9 =	sadd.s32 $0xD800, s9;
	s10 =	sadd.s32 $0xB2000, s12  }
0x10: {  	s12 =	sadd.s32 $0x8AE00, s12;
	s14 =	smax.u32 s14, $0x1;
	s17 =	sshrl.u32 @!p0 s17, $0x3  }
.LBB2_7:
0x11: {  	s24 =	sshra.s32 s24, $0x2;
	[sflag:s18] =	ssyncadd.s32 $0xFFFFD800  }
0x12: {  	[tilespmem:s21], [sflag:$0x1] =	stream.indirect.gather [hbm4b:s5+s20], $0x80, s24, s20, $0xb8;
	[tilespmem:$0x1E080] =	vst v63  }
0x13: {  	_ =	swait.ge [sflag:s22], $0x2800  }
0x14: {  	[sflag:s22] =	ssyncset.done $0x0  }
0x15: {  	s24 =	sadd.s32 $0x4000, s24;
	[sflag:s22] =	ssyncadd.s32 $0xFFFFD800  }
0x16: {  	[spmem:s1] =	stream.indirect.scatter.add.f32 [tilespmem:s21], [sflag:$0x2], $0x80, s24, s20, $0xb8;
	[tilespmem:$0x1E080] =	vst v63  }
0x17: {  	_ =	swait.ge [sflag:s18], $0x2800  }
0x18: {  	[sflag:s18] =	ssyncset.done $0x0  }
0x19: {  	[sflag:s18] =	ssyncadd.s32 $0xFFFFD800  }
0x1a: {  	s24 =	simm.s32 @p0 $0x1FC2;
	[bflag:$0x0] =	sbarrier.arrive $0xFFFF  }
0x1b: {  	[hbm:s11], [sflag:s24] =	dma.local @p0 [spmem:s15], $0x2800  }
0x1c: {  	s24 =	simm.s32 @p0 $0x2  }
0x1d: {  	_ =	swait.ge @p0 [sflag:s24], $0x2800  }
0x1e: {  	[sflag:s24] =	ssyncset.done @p0 $0x0  }
0x1f: {  	[sflag:s24] =	ssyncadd.s32 @p0 $0xFFFFD800;
	s24 =	simm.s32 @!p0 $0x2  }
0x20: {  	[hbm:s10], [sflag:s16] =	dma.local @!p0 [spmem:s17], $0x2700  }
0x21: {  	_ =	swait.ge @!p0 [sflag:s24], $0x2700  }
0x22: {  	[sflag:s24] =	ssyncset.done @!p0 $0x0  }
0x23: {  	[sflag:s24] =	ssyncadd.s32 @!p0 $0xFFFFD900  }
.LBB2_8:
0x24: {  	s23 =	sadd.s32 $0x1, s23  }
0x25: {  	p2 =	sne.s32 s23, s14  }
.Ltmp1:
0x26: {  	_ = 	snop;
	(pc) =	sbr.rel @!p2 .LBB2_9-.Ltmp1, $1  }
0x27: {  	_ =	sdelay $0x3  }
.LBB2_1:
0x28: {  	s24 =	simm.s32 @p0 $0x1FC2  }
0x29: {  	[spmem:s15], [sflag:s24] =	dma.local @p0 [hbm:s7], $0x2800  }
0x2a: {  	s24 =	simm.s32 @p0 $0x2  }
0x2b: {  	_ =	swait.ge @p0 [sflag:s24], $0x2800  }
0x2c: {  	[sflag:s24] =	ssyncset.done @p0 $0x0  }
0x2d: {  	[sflag:s24] =	ssyncadd.s32 @p0 $0xFFFFD800;
	s24 =	simm.s32 @!p0 $0x2  }
0x2e: {  	[spmem:s17], [sflag:s16] =	dma.local @!p0 [hbm:s6], $0x2700  }
0x2f: {  	_ =	swait.ge @!p0 [sflag:s24], $0x2700  }
0x30: {  	[sflag:s24] =	ssyncset.done @!p0 $0x0  }
0x31: {  	[sflag:s24] =	ssyncadd.s32 @!p0 $0xFFFFD900  }
0x32: {  	[bflag:$0x0] =	sbarrier.arrive $0xFFFF  }
0x33: {  	[tilespmem:s3], [sflag:$0x2] =	stream.linear.gather [hbm4b:s8+s3], $0x3E80, $0x38;
	[tilespmem:$0x1E080] =	vst v63  }
0x34: {  	_ =	swait.ge [sflag:s18], $0x3E80  }
0x35: {  	[sflag:s18] =	ssyncset.done $0x0  }
.Ltmp2:
0x36: {  	[sflag:s18] =	ssyncadd.s32 $0xFFFFC180;
	(pc) =	sbr.rel @p1 .LBB2_5-.Ltmp2, $4  }
0x37: {  	[tilespmem:s19], [sflag:$0x2] =	stream.linear.gather [hbm4b:s9+s3], $0x3E80, $0x38;
	[tilespmem:$0x1E080] =	vst v63  }
0x38: {  	_ =	swait.ge [sflag:s18], $0x3E80  }
0x39: {  	[sflag:s18] =	ssyncset.done $0x0  }
0x3a: {  	s24 =	simm.s32 $0x0;
	[sflag:s18] =	ssyncadd.s32 $0xFFFFC180  }
0x3b: {  	[tilespmem:s21], [sflag:$0x1] =	stream.indirect.gather [hbm4b:s4+s20], $0x80, s24, s20, $0xb8;
	[tilespmem:$0x1E080] =	vst v63  }
0x3c: {  	_ =	swait.ge [sflag:s22], $0x2800  }
0x3d: {  	[sflag:s22] =	ssyncset.done $0x0  }
0x3e: {  	s31 =	simm.s32 $0x4000;
	[sflag:s22] =	ssyncadd.s32 $0xFFFFD800  }
0x3f: {  	[spmem:s1] =	stream.indirect.scatter.add.f32 [tilespmem:s21], [sflag:$0x2], $0x80, s31, s20, $0xb8;
	[tilespmem:$0x1E080] =	vst v63  }
0x40: {  	_ =	swait.ge [sflag:s18], $0x2800  }
0x41: {  	s24 =	simm.s32 $0x200;
	s25 =	simm.s32 $0x400;
	[sflag:s18] =	ssyncset.done $0x0  }
.LBB2_3:
0x42: {  	s26 =	sshra.s32 s24, $0x2  }
0x43: {  	[sflag:s18] =	ssyncadd.s32 $0xFFFFD800;
	s24 =	smov.u32 s25;
	s28 =	sadd.s32 $0x200, s25  }
0x44: {  	[tilespmem:s21], [sflag:$0x1] =	stream.indirect.gather [hbm4b:s4+s20], $0x80, s26, s20, $0xb8;
	[tilespmem:$0x1E080] =	vst v63  }
0x45: {  	p2 =	sne.s32 s25, $0xF800;
	_ =	swait.ge [sflag:s22], $0x2800  }
.Ltmp3:
0x46: {  	[sflag:s22] =	ssyncset.done $0x0;
	(pc) =	sbr.rel @p2 .LBB2_3-.Ltmp3, $4  }
0x47: {  	s25 =	sadd.s32 $0x4000, s26;
	[sflag:s22] =	ssyncadd.s32 $0xFFFFD800  }
0x48: {  	[spmem:s1] =	stream.indirect.scatter.add.f32 [tilespmem:s21], [sflag:$0x2], $0x80, s25, s20, $0xb8;
	[tilespmem:$0x1E080] =	vst v63  }
0x49: {  	_ =	swait.ge [sflag:s18], $0x2800  }
0x4a: {  	s25 =	smov.u32 s28;
	[sflag:s18] =	ssyncset.done $0x0  }
0x4b: {  	s24 =	sshra.s32 s24, $0x2;
	[sflag:s18] =	ssyncadd.s32 $0xFFFFD800  }
0x4c: {  	[tilespmem:s21], [sflag:$0x1] =	stream.indirect.gather [hbm4b:s4+s20], $0x80, s24, s20, $0xb8;
	[tilespmem:$0x1E080] =	vst v63  }
0x4d: {  	_ =	swait.ge [sflag:s22], $0x2800  }
0x4e: {  	[sflag:s22] =	ssyncset.done $0x0  }
0x4f: {  	s24 =	sadd.s32 $0x4000, s24;
	[sflag:s22] =	ssyncadd.s32 $0xFFFFD800  }
0x50: {  	[spmem:s1] =	stream.indirect.scatter.add.f32 [tilespmem:s21], [sflag:$0x2], $0x80, s24, s20, $0xb8;
	[tilespmem:$0x1E080] =	vst v63  }
0x51: {  	_ =	swait.ge [sflag:s18], $0x2800  }
0x52: {  	[sflag:s18] =	ssyncset.done $0x0  }
0x53: {  	[sflag:s18] =	ssyncadd.s32 $0xFFFFD800  }
0x54: {  	s24 =	simm.s32 @p0 $0x1FC2;
	[bflag:$0x0] =	sbarrier.arrive $0xFFFF  }
0x55: {  	[hbm:s13], [sflag:s24] =	dma.local @p0 [spmem:s15], $0x2800  }
0x56: {  	s24 =	simm.s32 @p0 $0x2  }
0x57: {  	_ =	swait.ge @p0 [sflag:s24], $0x2800  }
0x58: {  	[sflag:s24] =	ssyncset.done @p0 $0x0  }
.Ltmp4:
0x59: {  	[sflag:s24] =	ssyncadd.s32 @p0 $0xFFFFD800;
	s24 =	simm.s32 @!p0 $0x2;
	(pc) =	sbr.rel .LBB2_8-.Ltmp4, $4  }
0x5a: {  	[hbm:s12], [sflag:s16] =	dma.local @!p0 [spmem:s17], $0x2700  }
0x5b: {  	_ =	swait.ge @!p0 [sflag:s24], $0x2700  }
0x5c: {  	[sflag:s24] =	ssyncset.done @!p0 $0x0  }
0x5d: {  	[sflag:s24] =	ssyncadd.s32 @!p0 $0xFFFFD900  }
.LBB2_5:
0x5e: {  	[tilespmem:s21], [sflag:$0x1] =	stream.indirect.gather [hbm4b:s5+s20], $0x80, s24, s20, $0xb8;
	[tilespmem:$0x1E080] =	vst v63  }
0x5f: {  	_ =	swait.ge [sflag:s22], $0x2800  }
0x60: {  	[sflag:s22] =	ssyncset.done $0x0  }
0x61: {  	s31 =	simm.s32 $0x4000;
	[sflag:s22] =	ssyncadd.s32 $0xFFFFD800  }
0x62: {  	[spmem:s1] =	stream.indirect.scatter.add.f32 [tilespmem:s21], [sflag:$0x2], $0x80, s31, s20, $0xb8;
	[tilespmem:$0x1E080] =	vst v63  }
0x63: {  	_ =	swait.ge [sflag:s18], $0x2800  }
0x64: {  	s24 =	simm.s32 $0x200;
	s25 =	simm.s32 $0x400;
	[sflag:s18] =	ssyncset.done $0x0  }
.LBB2_6:
0x65: {  	s26 =	sshra.s32 s24, $0x2  }
0x66: {  	[sflag:s18] =	ssyncadd.s32 $0xFFFFD800;
	s24 =	smov.u32 s25;
	s28 =	sadd.s32 $0x200, s25  }
0x67: {  	[tilespmem:s21], [sflag:$0x1] =	stream.indirect.gather [hbm4b:s5+s20], $0x80, s26, s20, $0xb8;
	[tilespmem:$0x1E080] =	vst v63  }
0x68: {  	p2 =	sne.s32 s25, $0xF800;
	_ =	swait.ge [sflag:s22], $0x2800  }
.Ltmp5:
0x69: {  	[sflag:s22] =	ssyncset.done $0x0;
	(pc) =	sbr.rel @p2 .LBB2_6-.Ltmp5, $4  }
0x6a: {  	s25 =	sadd.s32 $0x4000, s26;
	[sflag:s22] =	ssyncadd.s32 $0xFFFFD800  }
0x6b: {  	[spmem:s1] =	stream.indirect.scatter.add.f32 [tilespmem:s21], [sflag:$0x2], $0x80, s25, s20, $0xb8;
	[tilespmem:$0x1E080] =	vst v63  }
0x6c: {  	_ =	swait.ge [sflag:s18], $0x2800  }
0x6d: {  	s25 =	smov.u32 s28;
	[sflag:s18] =	ssyncset.done $0x0  }
.Ltmp6:
0x6e: {  	_ = 	snop;
	(pc) =	sbr.rel .LBB2_7-.Ltmp6, $1  }
0x6f: {  	_ =	sdelay $0x3  }
.LBB2_9:
0x70: {  	_ =	sfence.sel $0x180000  }
0x71: {  	[bflag:$0x0] =	sbarrier.arrive $0xFFFF  }
0x72: {  	p0 =	sne.s32 s2, $0x0;
	_ =	strace $0x9000004D  }
0x73: {  	s0 =	sadd.s32 @!p0 $0x100000, s0;
	[bflag:$0x2] =	sbarrier.arrive $0xFFFF  }
0x74: {  	[sflag:s0] =	ssyncadd.tile.s32 @!p0 $0x1;
	_ =	shalt  }
.Lfunc_end2:
_tile_overlayer_lowered:
.L_overlay_start_2:
0x75: {  	(tag) =	ssettag $0x2  }
0x76: {  	s0 =	rddreg [dreg:$0x0];
	s2 =	stileid.u32  }
0x77: {  	s1 =	rddreg [dreg:$0x1];
	p0 =	sne.s32 s2, $0x0  }
0x78: {  	s3 =	rddreg [dreg:$0x2];
	[bflag:$0x3] =	sbarrier.arrive $0xFFFF;
	s2 =	simm.s32 @!p0 $0x1C02  }
0x79: {  	[timem:s3], [sflag:s2] =	dma.local @!p0 [hbm:s0], s1  }
0x7a: {  	s0 =	simm.s32 @!p0 $0x2  }
0x7b: {  	_ =	swait.ge @!p0 [sflag:s0], s1  }
0x7c: {  	s1 =	ssub.s32 @!p0 $0x0, s1;
	[sflag:s0] =	ssyncset.done @!p0 $0x0  }
0x7d: {  	[sflag:s0] =	ssyncadd.s32 @!p0 s1  }
0x7e: {  	[bflag:$0x3] =	sbarrier.arrive $0xFFFF  }
0x7f: {  	_ =	shalt  }

// kernel: kernel.9.cloned.1.call-start
scs
__scs_entry_jumppad:
0x0: {  	(pc) =	sbr.rel $0x88, $3  }
0x1: {  	(tag) =	ssettag $0x0;
	lr =	simm.s32 $0x1  }
0x2: {  	[smem:$0x3F90] =	sst lr;
	_ =	strace $0xD0000000  }
0x3: {  	_ = 	snop  }
0x4: {  	_ = 	snop  }
0x5: {  	_ = 	snop  }
0x6: {  	_ = 	snop  }
0x7: {  	_ = 	snop  }
__scs_overlays_trampoline_lowered:
0x8: {  	[smem:$0x3F9F] =	sst s0  }
0x9: {  	[smem:$0x3FA0] =	sst s1  }
0xa: {  	[smem:$0x3FA1] =	sst s2  }
0xb: {  	[smem:$0x3FA2] =	sst s3  }
0xc: {  	[smem:$0x3FA3] =	sst s4  }
0xd: {  	[smem:$0x3FA4] =	sst s5  }
0xe: {  	[smem:$0x3FA5] =	sst s6  }
0xf: {  	[smem:$0x3FA6] =	sst s7  }
0x10: {  	[smem:$0x3FA7] =	sst s8  }
0x11: {  	[smem:$0x3FA8] =	sst s9;
	s0 =	simm.s32 @!p0 $0x0  }
0x12: {  	s1 =	sld [smem:$0x3F8E];
	s0 =	simm.s32 @p0 $0x1  }
0x13: {  	[smem:$0x3FA9] =	sst s0;
	s0 =	simm.s32 @!p1 $0x0  }
0x14: {  	s2 =	sld [smem:$0x3F8D];
	s0 =	simm.s32 @p1 $0x1  }
0x15: {  	[smem:$0x3FAA] =	sst s0;
	s0 =	simm.s32 @!p2 $0x0  }
0x16: {  	s3 =	sld [smem:$0x3FDB];
	s0 =	simm.s32 @p2 $0x1  }
0x17: {  	s4 =	simm.s32 $0x1BF5;
	[smem:$0x3FAC] =	sst s0  }
0x18: {  	s0 =	sld [smem:$0x3F8F];
	_ =	swait.ge [sflag:s4], $0x0  }
0x19: {  	s7 =	sld [smem:$0x3F90]  }
0x1a: {  	s8 =	sadd.s32 $0xFFFFE003, lr  }
0x1b: {  	s9 =	sadd.s32 $0xFFFFFEF7, lr;
	s5 =	simm.s32 $0xFFFFFFFF;
	p2 =	slt.u32 s8, $0xFFFFF086  }
0x1c: {  	p1 =	slt.u32 s9, $0xF7A;
	s5 =	simm.s32 @!p2 $0x0  }
0x1d: {  	s5 =	simm.s32 @p1 $0x1;
	p0 =	seq.s32 s7, s2  }
0x1e: {  	s7 =	smul.u32 @!p0 $0xF7A, s2;
	p2 =	seq.s32 @!p0 s5, $0x0  }
0x1f: {  	s9 =	smul.u32 $0xF7A, s1;
	s8 =	simm.s32 @!p0 $0x1BF5;
	p2 =	por !p2, p0  }
0x20: {  	[sflag:s8] =	ssyncset.s32 @!p0 $0xFFFFF086;
	s6 =	sadd.s32 @!p0 s3, s7;
	s7 =	simm.s32 @!p0 $0x108  }
0x21: {  	s3 =	sadd.s32 s3, s9;
	s6 =	sadd.s32 @!p0 $0x88, s6;
	s7 =	simm.s32 @p2 $0x1082  }
0x22: {  	[simem:s7], [sflag:s8] =	dma.local @!p0 [hbm:s6], $0xF7A  }
0x23: {  	s9 =	sor.u32 $0xD0000000, s2;
	s6 =	simm.s32 $0x108;
	_ =	swait.ge @!p0 [sflag:s8], $0x0  }
0x24: {  	s3 =	sadd.s32 $0x88, s3;
	s6 =	simm.s32 @!p1 $0x1082;
	[sflag:s4] =	ssyncset.s32 $0xFFFFF086  }
0x25: {  	[simem:s6], [sflag:s4] =	dma.local [hbm:s3], $0xF7A  }
0x26: {  	[smem:$0x3F90] =	sst s1;
	(tag) =	ssettag s2;
	_ =	strace s9  }
0x27: {  	s1 =	sld [smem:$0x3FA0]  }
0x28: {  	s2 =	sld [smem:$0x3FA1]  }
0x29: {  	s4 =	sld [smem:$0x3FA3]  }
0x2a: {  	p0 =	seq.s32 s5, $0x0;
	s5 =	sld [smem:$0x3FA4]  }
0x2b: {  	s6 =	sld [smem:$0x3FA5]  }
0x2c: {  	s7 =	sld [smem:$0x3FA6]  }
0x2d: {  	s3 =	simm.s32 $0x108;
	s8 =	sld [smem:$0x3FA7]  }
0x2e: {  	s3 =	simm.s32 @!p0 $0x1082;
	s9 =	sld [smem:$0x3FA8]  }
0x2f: {  	lr =	sadd.s32 s0, s3;
	s0 =	sld [smem:$0x3F9F]  }
0x30: {  	s3 =	sld [smem:$0x3FA2]  }
0x31: {  	[smem:$0x3FAB] =	sst s10  }
0x32: {  	s10 =	sld [smem:$0x3FA9];
	_ =	sdelay $0x3  }
0x33: {  	p0 =	seq.s32 s10, $0x1;
	s10 =	sld [smem:$0x3FAB];
	_ =	sdelay $0x3  }
0x34: {  	[smem:$0x3FAB] =	sst s10  }
0x35: {  	s10 =	sld [smem:$0x3FAA];
	_ =	sdelay $0x3  }
0x36: {  	p1 =	seq.s32 s10, $0x1;
	s10 =	sld [smem:$0x3FAB];
	_ =	sdelay $0x3  }
0x37: {  	[smem:$0x3FAB] =	sst s10  }
0x38: {  	s10 =	sld [smem:$0x3FAC]  }
0x39: {  	_ = 	snop;
	(pc) =	sbr.ind lr, $3  }
0x3a: {  	_ = 	snop  }
0x3b: {  	_ = 	snop  }
0x3c: {  	p2 =	seq.s32 s10, $0x1;
	s10 =	sld [smem:$0x3FAB]  }
0x3d: {  	_ =	shalt  }
0x3e: {  	_ =	shalt  }
0x3f: {  	_ =	shalt  }
0x40: {  	_ =	shalt  }
0x41: {  	_ =	shalt  }
0x42: {  	_ =	shalt  }
0x43: {  	_ =	shalt  }
0x44: {  	_ =	shalt  }
0x45: {  	_ =	shalt  }
0x46: {  	_ =	shalt  }
0x47: {  	_ =	shalt  }
0x48: {  	_ =	shalt  }
0x49: {  	_ =	shalt  }
0x4a: {  	_ =	shalt  }
0x4b: {  	_ =	shalt  }
0x4c: {  	_ =	shalt  }
0x4d: {  	_ =	shalt  }
0x4e: {  	_ =	shalt  }
0x4f: {  	_ =	shalt  }
0x50: {  	_ =	shalt  }
0x51: {  	_ =	shalt  }
0x52: {  	_ =	shalt  }
0x53: {  	_ =	shalt  }
0x54: {  	_ =	shalt  }
0x55: {  	_ =	shalt  }
0x56: {  	_ =	shalt  }
0x57: {  	_ =	shalt  }
0x58: {  	_ =	shalt  }
0x59: {  	_ =	shalt  }
0x5a: {  	_ =	shalt  }
0x5b: {  	_ =	shalt  }
0x5c: {  	_ =	shalt  }
0x5d: {  	_ =	shalt  }
0x5e: {  	_ =	shalt  }
0x5f: {  	_ =	shalt  }
0x60: {  	_ =	shalt  }
0x61: {  	_ =	shalt  }
0x62: {  	_ =	shalt  }
0x63: {  	_ =	shalt  }
0x64: {  	_ =	shalt  }
0x65: {  	_ =	shalt  }
0x66: {  	_ =	shalt  }
0x67: {  	_ =	shalt  }
0x68: {  	_ =	shalt  }
0x69: {  	_ =	shalt  }
0x6a: {  	_ =	shalt  }
0x6b: {  	_ =	shalt  }
0x6c: {  	_ =	shalt  }
0x6d: {  	_ =	shalt  }
0x6e: {  	_ =	shalt  }
0x6f: {  	_ =	shalt  }
0x70: {  	_ =	shalt  }
0x71: {  	_ =	shalt  }
0x72: {  	_ =	shalt  }
0x73: {  	_ =	shalt  }
0x74: {  	_ =	shalt  }
0x75: {  	_ =	shalt  }
0x76: {  	_ =	shalt  }
0x77: {  	_ =	shalt  }
0x78: {  	_ =	shalt  }
0x79: {  	_ =	shalt  }
0x7a: {  	_ =	shalt  }
0x7b: {  	_ =	shalt  }
0x7c: {  	_ =	shalt  }
0x7d: {  	_ =	shalt  }
0x7e: {  	_ =	shalt  }
0x7f: {  	_ =	shalt  }
0x80: {  	_ =	shalt  }
0x81: {  	_ =	shalt  }
0x82: {  	_ =	shalt  }
0x83: {  	_ =	shalt  }
0x84: {  	_ =	shalt  }
0x85: {  	_ =	shalt  }
0x86: {  	_ =	shalt  }
0x87: {  	_ =	shalt  }
.Lfunc_end0:
.L_simem_size_0:
called_computation_lowered:
.L_overlay_start_0:
0x88: {  	s2 =	sld [smem:$0x3FD9]  }
0x89: {  	s3 =	sld [smem:$0x3FFE];
	_ =	sdelay $0x1  }
0x8a: {  	s1 =	srdreg.scid  }
0x8b: {  	s0 =	sand.u32 $0x1, s1  }
0x8c: {  	s16 =	sshll.u32 s0, $0xA;
	s2 =	sadd.s32 s3, s2  }
0x8d: {  	s2 =	sadd.s32 s2, s16  }
0x8e: {  	[smem:$0x3FB7] =	sst s2  }
0x8f: {  	_ = 	snop  }
0x90: {  	(tm) =	ssettm $0x1  }
0x91: {  	s17 =	sld [smem:$0x3FFB];
	_ =	sdelay $0x3  }
0x92: {  	_ =	strace s17  }
0x93: {  	s2 =	sld [smem:$0x3FFC];
	_ =	sdelay $0x3  }
0x94: {  	_ =	strace s2  }
0x95: {  	s2 =	sld [smem:$0x3FFD];
	_ =	sdelay $0x3  }
0x96: {  	_ =	strace s2  }
0x97: {  	_ =	strace $0x8FFFFFFF  }
0x98: {  	s18 =	sld [smem:$0x3FDB];
	_ =	sdelay $0x1  }
0x99: {  	s19 =	simm.s32 $_scs_section_size  }
0x9a: {  	s4 =	simm.s32 $_size__tile_overlayer_lowered;
	s5 =	simm.s32 $_tile_overlayer_lowered  }
0x9b: {  	s22 =	simm.s32 $0x1BFF;
	s21 =	sshll.u32 s5, $0x1;
	s2 =	sadd.s32 s19, s18  }
0x9c: {  	s6 =	simm.s32 $0x0;
	s20 =	sshll.u32 s4, $0x1;
	s4 =	sadd.s32 s21, s2  }
0x9d: {  	[timem:s6], [sflag:s22] =	dma.local [hbm:s4], s20  }
0x9e: {  	_ =	swait.ge [sflag:s22], s20  }
0x9f: {  	s3 =	ssub.s32 $0x0, s20;
	[sflag:s22] =	ssyncset.done $0x0  }
0xa0: {  	[sflag:s22] =	ssyncadd.s32 s3;
	_ =	sdelay $0x1  }
0xa1: {  	s23 =	simm.s32 $0x1B8B  }
0xa2: {  	_ =	swait.ge [sflag:s23], $0x1  }
0xa3: {  	[sflag:s23] =	ssyncset.done $0x0  }
0xa4: {  	s25 =	simm.s32 $0x1B8E;
	s24 =	sld [smem:$0x3FFE];
	[sflag:s23] =	ssyncadd.s32 $0xFFFFFFFF  }
0xa5: {  	s26 =	simm.s32 $execute0_lowered;
	[smem:$0x3FD2] =	sst s25  }
0xa6: {  	s4 =	sshll.u32 s26, $0x1;
	_ =	strace $0x80000046;
	[dreg:$0x1] =	wrdreg $0xFFFFFFFF  }
0xa7: {  	s28 =	simm.s32 $_size_execute0_lowered;
	s2 =	sadd.s32 s2, s4;
	[dreg:$0x0] =	wrdreg $0x0  }
0xa8: {  	s4 =	sshll.u32 s28, $0x1;
	[dreg:$0x2] =	wrdreg s2  }
0xa9: {  	[dreg:$0x3] =	wrdreg s4  }
0xaa: {  	[dreg:$0x4] =	wrdreg $0xC0  }
0xab: {  	_ =	task [dreg:s6], $0x5FFFF  }
0xac: {  	[dreg:$0x1] =	wrdreg $0xFFFFFFFF  }
0xad: {  	[dreg:$0x0] =	wrdreg $0x60  }
0xae: {  	[dreg:$0x2] =	wrdreg s24  }
0xaf: {  	[dreg:$0x3] =	wrdreg $0xA8000  }
0xb0: {  	[dreg:$0x4] =	wrdreg $0x9  }
0xb1: {  	_ =	task.clear_ibuf [dreg:s6], $0x5FFFF;
	_ =	strace $0x90000046  }
0xb2: {  	s29 =	simm.s32 $0x9;
	_ =	strace $0x80000048  }
0xb3: {  	_ =	swait.ge [sflag:s29], $0x1  }
0xb4: {  	[sflag:s29] =	ssyncadd.s32 $0xFFFFFFFF  }
0xb5: {  	_ =	strace $0x90000048  }
0xb6: {  	_ =	sfence  }
0xb7: {  	s30 =	sld [smem:$0x0];
	_ =	sdelay $0x2  }
0xb8: {  	s31 =	sshll.u32 s1, $0xD;
	s1 =	sshrl.u32 s1, $0x2  }
0xb9: {  	s3 =	sand.u32 $0x4000, s31;
	s1 =	sadd.s32 s1, s30  }
0xba: {  	s0 =	sor.u32 s3, s0;
	s1 =	sshll.u32 s1, $0x11  }
0xbb: {  	s0 =	sor.u32 s1, s0  }
0xbc: {  	s0 =	sadd.s32 $0x8F2B, s0  }
0xbd: {  	[sflag:s0] =	ssyncadd.remote.s32 $0x1  }
0xbe: {  	_ =	sfence.sel $0xFFFF  }
0xbf: {  	[dreg:$0x0] =	wrdreg $0xFFFFFFFF;
	(pc) =	sbr.abs _section_cstart, $3  }
0xc0: {  	[dreg:$0x1] =	wrdreg $0xFFFFFFFF  }
0xc1: {  	_ =	task.clear_ibuf [dreg:s6], $0x2FFFF;
	_ =	strace $0x9FFFFFFF  }
0xc2: {  	(tm) =	ssettm $0x7FFFFFFF  }
0xc3: {  	_ =	shalt  }
tec
execute0_lowered:
.L_overlay_start_1:
0x0: {  	(tag) =	ssettag $0x1  }
0x1: {  	s13 =	rddreg [dreg:$0x0]  }
0x2: {  	s1 =	rddreg [dreg:$0x1]  }
0x3: {  	s0 =	rddreg [dreg:$0x2];
	s3 =	simm.s32 $0x0;
	s2 =	stileid.u32  }
0x4: {  	s5 =	srdreg.scid;
	s19 =	simm.s32 $0x4000;
	s20 =	simm.s32 $0x50  }
0x5: {  	s21 =	simm.s32 $0x8000;
	s22 =	simm.s32 $0x1;
	s23 =	simm.s32 $0x0  }
0x6: {  	[smem:$0x7FF] =	sst s3;
	s4 =	sadd.s32 $0x3CA00, s13;
	s6 =	smul.u32 $0x2700, s2  }
0x7: {  	s7 =	sshll.u32 s2, $0xB;
	s18 =	sand.u32 $0x1, s5;
	s8 =	smul.u32 $0x4E000, s2  }
0x8: {  	s5 =	sadd.s32 $0x15800, s13;
	s15 =	sadd.s32 $0x124800, s1;
	s11 =	sadd.s32 $0xD6900, s13  }
0x9: {  	p0 =	seq.s32 s2, $0xF;
	_ =	strace $0x80000047;
	s9 =	sadd.s32 s7, s13  }
0xa: {  	s30 =	ssub.s32 $0x2, s18;
	s7 =	sadd.s32 $0x88500, s13;
	s15 =	sshrl.u32 @p0 s15, $0x3  }
0xb: {  	s16 =	sshll.u32 @!p0 s2, $0x6;
	p1 =	sne.s32 s18, $0x0;
	s18 =	simm.s32 $0x2  }
.Ltmp0:
0xc: {  	s12 =	sadd.s32 s6, s13;
	s31 =	sshrl.u32 s30, $0x1;
	(pc) =	sbr.rel .LBB2_1-.Ltmp0, $4  }
0xd: {  	s8 =	sshrl.u32 s8, $0x2;
	s13 =	sadd.s32 $0xAF700, s13;
	s16 =	sor.u32 @!p0 $0x1C02, s16  }
0xe: {  	s14 =	ssub.s32 s30, s31;
	s17 =	sadd.s32 s8, s1;
	s6 =	sadd.s32 $0x63C00, s12  }
0xf: {  	s8 =	sadd.s32 $0x5800, s9;
	s9 =	sadd.s32 $0xD800, s9;
	s10 =	sadd.s32 $0xB2000, s12  }
0x10: {  	s12 =	sadd.s32 $0x8AE00, s12;
	s14 =	smax.u32 s14, $0x1;
	s17 =	sshrl.u32 @!p0 s17, $0x3  }
.LBB2_7:
0x11: {  	s24 =	sshra.s32 s24, $0x2;
	[sflag:s18] =	ssyncadd.s32 $0xFFFFD800  }
0x12: {  	[tilespmem:s21], [sflag:$0x1] =	stream.indirect.gather [hbm4b:s5+s20], $0x80, s24, s20, $0xb8;
	[tilespmem:$0x1E080] =	vst v63  }
0x13: {  	_ =	swait.ge [sflag:s22], $0x2800  }
0x14: {  	[sflag:s22] =	ssyncset.done $0x0  }
0x15: {  	s24 =	sadd.s32 $0x4000, s24;
	[sflag:s22] =	ssyncadd.s32 $0xFFFFD800  }
0x16: {  	[spmem:s1] =	stream.indirect.scatter.add.f32 [tilespmem:s21], [sflag:$0x2], $0x80, s24, s20, $0xb8;
	[tilespmem:$0x1E080] =	vst v63  }
0x17: {  	_ =	swait.ge [sflag:s18], $0x2800  }
0x18: {  	[sflag:s18] =	ssyncset.done $0x0  }
0x19: {  	[sflag:s18] =	ssyncadd.s32 $0xFFFFD800  }
0x1a: {  	s24 =	simm.s32 @p0 $0x1FC2;
	[bflag:$0x0] =	sbarrier.arrive $0xFFFF  }
0x1b: {  	[hbm:s11], [sflag:s24] =	dma.local @p0 [spmem:s15], $0x2800  }
0x1c: {  	s24 =	simm.s32 @p0 $0x2  }
0x1d: {  	_ =	swait.ge @p0 [sflag:s24], $0x2800  }
0x1e: {  	[sflag:s24] =	ssyncset.done @p0 $0x0  }
0x1f: {  	[sflag:s24] =	ssyncadd.s32 @p0 $0xFFFFD800;
	s24 =	simm.s32 @!p0 $0x2  }
0x20: {  	[hbm:s10], [sflag:s16] =	dma.local @!p0 [spmem:s17], $0x2700  }
0x21: {  	_ =	swait.ge @!p0 [sflag:s24], $0x2700  }
0x22: {  	[sflag:s24] =	ssyncset.done @!p0 $0x0  }
0x23: {  	[sflag:s24] =	ssyncadd.s32 @!p0 $0xFFFFD900  }
.LBB2_8:
0x24: {  	s23 =	sadd.s32 $0x1, s23  }
0x25: {  	p2 =	sne.s32 s23, s14  }
.Ltmp1:
0x26: {  	_ = 	snop;
	(pc) =	sbr.rel @!p2 .LBB2_9-.Ltmp1, $1  }
0x27: {  	_ =	sdelay $0x3  }
.LBB2_1:
0x28: {  	s24 =	simm.s32 @p0 $0x1FC2  }
0x29: {  	[spmem:s15], [sflag:s24] =	dma.local @p0 [hbm:s7], $0x2800  }
0x2a: {  	s24 =	simm.s32 @p0 $0x2  }
0x2b: {  	_ =	swait.ge @p0 [sflag:s24], $0x2800  }
0x2c: {  	[sflag:s24] =	ssyncset.done @p0 $0x0  }
0x2d: {  	[sflag:s24] =	ssyncadd.s32 @p0 $0xFFFFD800;
	s24 =	simm.s32 @!p0 $0x2  }
0x2e: {  	[spmem:s17], [sflag:s16] =	dma.local @!p0 [hbm:s6], $0x2700  }
0x2f: {  	_ =	swait.ge @!p0 [sflag:s24], $0x2700  }
0x30: {  	[sflag:s24] =	ssyncset.done @!p0 $0x0  }
0x31: {  	[sflag:s24] =	ssyncadd.s32 @!p0 $0xFFFFD900  }
0x32: {  	[bflag:$0x0] =	sbarrier.arrive $0xFFFF  }
0x33: {  	[tilespmem:s3], [sflag:$0x2] =	stream.linear.gather [hbm4b:s8+s3], $0x3E80, $0x38;
	[tilespmem:$0x1E080] =	vst v63  }
0x34: {  	_ =	swait.ge [sflag:s18], $0x3E80  }
0x35: {  	[sflag:s18] =	ssyncset.done $0x0  }
.Ltmp2:
0x36: {  	[sflag:s18] =	ssyncadd.s32 $0xFFFFC180;
	(pc) =	sbr.rel @p1 .LBB2_5-.Ltmp2, $4  }
0x37: {  	[tilespmem:s19], [sflag:$0x2] =	stream.linear.gather [hbm4b:s9+s3], $0x3E80, $0x38;
	[tilespmem:$0x1E080] =	vst v63  }
0x38: {  	_ =	swait.ge [sflag:s18], $0x3E80  }
0x39: {  	[sflag:s18] =	ssyncset.done $0x0  }
0x3a: {  	s24 =	simm.s32 $0x0;
	[sflag:s18] =	ssyncadd.s32 $0xFFFFC180  }
0x3b: {  	[tilespmem:s21], [sflag:$0x1] =	stream.indirect.gather [hbm4b:s4+s20], $0x80, s24, s20, $0xb8;
	[tilespmem:$0x1E080] =	vst v63  }
0x3c: {  	_ =	swait.ge [sflag:s22], $0x2800  }
0x3d: {  	[sflag:s22] =	ssyncset.done $0x0  }
0x3e: {  	s31 =	simm.s32 $0x4000;
	[sflag:s22] =	ssyncadd.s32 $0xFFFFD800  }
0x3f: {  	[spmem:s1] =	stream.indirect.scatter.add.f32 [tilespmem:s21], [sflag:$0x2], $0x80, s31, s20, $0xb8;
	[tilespmem:$0x1E080] =	vst v63  }
0x40: {  	_ =	swait.ge [sflag:s18], $0x2800  }
0x41: {  	s24 =	simm.s32 $0x200;
	s25 =	simm.s32 $0x400;
	[sflag:s18] =	ssyncset.done $0x0  }
.LBB2_3:
0x42: {  	s26 =	sshra.s32 s24, $0x2  }
0x43: {  	[sflag:s18] =	ssyncadd.s32 $0xFFFFD800;
	s24 =	smov.u32 s25;
	s28 =	sadd.s32 $0x200, s25  }
0x44: {  	[tilespmem:s21], [sflag:$0x1] =	stream.indirect.gather [hbm4b:s4+s20], $0x80, s26, s20, $0xb8;
	[tilespmem:$0x1E080] =	vst v63  }
0x45: {  	p2 =	sne.s32 s25, $0xF800;
	_ =	swait.ge [sflag:s22], $0x2800  }
.Ltmp3:
0x46: {  	[sflag:s22] =	ssyncset.done $0x0;
	(pc) =	sbr.rel @p2 .LBB2_3-.Ltmp3, $4  }
0x47: {  	s25 =	sadd.s32 $0x4000, s26;
	[sflag:s22] =	ssyncadd.s32 $0xFFFFD800  }
0x48: {  	[spmem:s1] =	stream.indirect.scatter.add.f32 [tilespmem:s21], [sflag:$0x2], $0x80, s25, s20, $0xb8;
	[tilespmem:$0x1E080] =	vst v63  }
0x49: {  	_ =	swait.ge [sflag:s18], $0x2800  }
0x4a: {  	s25 =	smov.u32 s28;
	[sflag:s18] =	ssyncset.done $0x0  }
0x4b: {  	s24 =	sshra.s32 s24, $0x2;
	[sflag:s18] =	ssyncadd.s32 $0xFFFFD800  }
0x4c: {  	[tilespmem:s21], [sflag:$0x1] =	stream.indirect.gather [hbm4b:s4+s20], $0x80, s24, s20, $0xb8;
	[tilespmem:$0x1E080] =	vst v63  }
0x4d: {  	_ =	swait.ge [sflag:s22], $0x2800  }
0x4e: {  	[sflag:s22] =	ssyncset.done $0x0  }
0x4f: {  	s24 =	sadd.s32 $0x4000, s24;
	[sflag:s22] =	ssyncadd.s32 $0xFFFFD800  }
0x50: {  	[spmem:s1] =	stream.indirect.scatter.add.f32 [tilespmem:s21], [sflag:$0x2], $0x80, s24, s20, $0xb8;
	[tilespmem:$0x1E080] =	vst v63  }
0x51: {  	_ =	swait.ge [sflag:s18], $0x2800  }
0x52: {  	[sflag:s18] =	ssyncset.done $0x0  }
0x53: {  	[sflag:s18] =	ssyncadd.s32 $0xFFFFD800  }
0x54: {  	s24 =	simm.s32 @p0 $0x1FC2;
	[bflag:$0x0] =	sbarrier.arrive $0xFFFF  }
0x55: {  	[hbm:s13], [sflag:s24] =	dma.local @p0 [spmem:s15], $0x2800  }
0x56: {  	s24 =	simm.s32 @p0 $0x2  }
0x57: {  	_ =	swait.ge @p0 [sflag:s24], $0x2800  }
0x58: {  	[sflag:s24] =	ssyncset.done @p0 $0x0  }
.Ltmp4:
0x59: {  	[sflag:s24] =	ssyncadd.s32 @p0 $0xFFFFD800;
	s24 =	simm.s32 @!p0 $0x2;
	(pc) =	sbr.rel .LBB2_8-.Ltmp4, $4  }
0x5a: {  	[hbm:s12], [sflag:s16] =	dma.local @!p0 [spmem:s17], $0x2700  }
0x5b: {  	_ =	swait.ge @!p0 [sflag:s24], $0x2700  }
0x5c: {  	[sflag:s24] =	ssyncset.done @!p0 $0x0  }
0x5d: {  	[sflag:s24] =	ssyncadd.s32 @!p0 $0xFFFFD900  }
.LBB2_5:
0x5e: {  	[tilespmem:s21], [sflag:$0x1] =	stream.indirect.gather [hbm4b:s5+s20], $0x80, s24, s20, $0xb8;
	[tilespmem:$0x1E080] =	vst v63  }
0x5f: {  	_ =	swait.ge [sflag:s22], $0x2800  }
0x60: {  	[sflag:s22] =	ssyncset.done $0x0  }
0x61: {  	s31 =	simm.s32 $0x4000;
	[sflag:s22] =	ssyncadd.s32 $0xFFFFD800  }
0x62: {  	[spmem:s1] =	stream.indirect.scatter.add.f32 [tilespmem:s21], [sflag:$0x2], $0x80, s31, s20, $0xb8;
	[tilespmem:$0x1E080] =	vst v63  }
0x63: {  	_ =	swait.ge [sflag:s18], $0x2800  }
0x64: {  	s24 =	simm.s32 $0x200;
	s25 =	simm.s32 $0x400;
	[sflag:s18] =	ssyncset.done $0x0  }
.LBB2_6:
0x65: {  	s26 =	sshra.s32 s24, $0x2  }
0x66: {  	[sflag:s18] =	ssyncadd.s32 $0xFFFFD800;
	s24 =	smov.u32 s25;
	s28 =	sadd.s32 $0x200, s25  }
0x67: {  	[tilespmem:s21], [sflag:$0x1] =	stream.indirect.gather [hbm4b:s5+s20], $0x80, s26, s20, $0xb8;
	[tilespmem:$0x1E080] =	vst v63  }
0x68: {  	p2 =	sne.s32 s25, $0xF800;
	_ =	swait.ge [sflag:s22], $0x2800  }
.Ltmp5:
0x69: {  	[sflag:s22] =	ssyncset.done $0x0;
	(pc) =	sbr.rel @p2 .LBB2_6-.Ltmp5, $4  }
0x6a: {  	s25 =	sadd.s32 $0x4000, s26;
	[sflag:s22] =	ssyncadd.s32 $0xFFFFD800  }
0x6b: {  	[spmem:s1] =	stream.indirect.scatter.add.f32 [tilespmem:s21], [sflag:$0x2], $0x80, s25, s20, $0xb8;
	[tilespmem:$0x1E080] =	vst v63  }
0x6c: {  	_ =	swait.ge [sflag:s18], $0x2800  }
0x6d: {  	s25 =	smov.u32 s28;
	[sflag:s18] =	ssyncset.done $0x0  }
.Ltmp6:
0x6e: {  	_ = 	snop;
	(pc) =	sbr.rel .LBB2_7-.Ltmp6, $1  }
0x6f: {  	_ =	sdelay $0x3  }
.LBB2_9:
0x70: {  	_ =	sfence.sel $0x180000  }
0x71: {  	[bflag:$0x0] =	sbarrier.arrive $0xFFFF  }
0x72: {  	p0 =	sne.s32 s2, $0x0;
	_ =	strace $0x90000047  }
0x73: {  	s0 =	sadd.s32 @!p0 $0x100000, s0;
	[bflag:$0x2] =	sbarrier.arrive $0xFFFF  }
0x74: {  	[sflag:s0] =	ssyncadd.tile.s32 @!p0 $0x1;
	_ =	shalt  }
.Lfunc_end2:
_tile_overlayer_lowered:
.L_overlay_start_2:
0x75: {  	(tag) =	ssettag $0x2  }
0x76: {  	s0 =	rddreg [dreg:$0x0];
	s2 =	stileid.u32  }
0x77: {  	s1 =	rddreg [dreg:$0x1];
	p0 =	sne.s32 s2, $0x0  }
0x78: {  	s3 =	rddreg [dreg:$0x2];
	[bflag:$0x3] =	sbarrier.arrive $0xFFFF;
	s2 =	simm.s32 @!p0 $0x1C02  }
0x79: {  	[timem:s3], [sflag:s2] =	dma.local @!p0 [hbm:s0], s1  }
0x7a: {  	s0 =	simm.s32 @!p0 $0x2  }
0x7b: {  	_ =	swait.ge @!p0 [sflag:s0], s1  }
0x7c: {  	s1 =	ssub.s32 @!p0 $0x0, s1;
	[sflag:s0] =	ssyncset.done @!p0 $0x0  }
0x7d: {  	[sflag:s0] =	ssyncadd.s32 @!p0 s1  }
0x7e: {  	[bflag:$0x3] =	sbarrier.arrive $0xFFFF  }
0x7f: {  	_ =	shalt  }

</sc_bundles>
